<compile_context>
chip_gen: v7x
topology: tpu7x:2x2x1
jax: 0.10.2.dev20260603
libtpu: 0.0.44.dev20260713+nightly
codegen_flags: <defaults>
</compile_context>

<pallas_src>
import functools

import jax
import jax.numpy as jnp
from jax import lax
from jax.experimental import pallas as pl
from jax.experimental.pallas import tpu as pltpu
from jax.experimental.pallas import tpu_sc as plsc

N = 10000
E = 320000
D = 128
H = 128
L = 65536

NC = 2
NS = 16
NW = NC * NS
EPW = E // NW
CH = 80
NCH = EPW // CH
RCH = N // CH
LPW = L // NW

_F32 = jnp.float32

_SC_PARAMS = pltpu.CompilerParams(use_tc_tiling_on_sc=False)
_SC_GATHER_PARAMS = pltpu.CompilerParams(use_tc_tiling_on_sc=False,
                                         needs_layout_passes=False)


def _mesh():
    return plsc.VectorSubcoreMesh(core_axis_name="c", subcore_axis_name="s")


def _edge_pipeline(feat_hbm, idx_all, dst_all, acc,
                   rows0, rows1, sg0, sg1, deg=None):
    dacc, ones_v = deg if deg is not None else (None, None)

    def fire(off, rows_b, sem_g):
        pltpu.async_copy(feat_hbm.at[idx_all.at[pl.ds(off * CH, CH)]],
                         rows_b, sem_g)

    def drain(off, rows_b, sem_g):
        pltpu.make_async_copy(feat_hbm.at[idx_all.at[pl.ds(off * CH, CH)]],
                              rows_b, sem_g).wait()
        pltpu.sync_copy(rows_b, acc.at[dst_all.at[pl.ds(off * CH, CH)]],
                        add=True)
        if dacc is not None:
            pltpu.sync_copy(ones_v, dacc.at[dst_all.at[pl.ds(off * CH, CH)]],
                            add=True)

    fire(0, rows0, sg0)

    @pl.loop(0, NCH - 1, step=2)
    def _pair(i):
        fire(i + 1, rows1, sg1)
        drain(i, rows0, sg0)
        fire(i + 2, rows0, sg0)
        drain(i + 1, rows1, sg1)

    drain(NCH - 1, rows0, sg0)


def _segsum_deg_body(feat_hbm, src_hbm, dst_hbm, zrow_hbm, zdeg_hbm, ones_hbm,
                     agg_hbm, deg_hbm, acc, dacc, idx_all, dst_all,
                     rows0, rows1, ones_v, stage_d, sg0, sg1):
    c = lax.axis_index("c")
    s = lax.axis_index("s")
    w = c * NS + s

    pltpu.sync_copy(src_hbm.at[pl.ds(w * EPW, EPW)], idx_all)
    pltpu.sync_copy(dst_hbm.at[pl.ds(w * EPW, EPW)], dst_all)
    pltpu.sync_copy(zrow_hbm, rows0)
    pltpu.sync_copy(zdeg_hbm, stage_d)

    @pl.loop(s, RCH, step=NS)
    def _zero(j):
        pltpu.sync_copy(rows0, acc.at[pl.ds(j * CH, CH)])
        pltpu.sync_copy(stage_d, dacc.at[pl.ds(j * CH, CH)])

    pltpu.sync_copy(ones_hbm, ones_v)
    plsc.subcore_barrier()

    _edge_pipeline(feat_hbm, idx_all, dst_all, acc,
                   rows0, rows1, sg0, sg1, deg=(dacc, ones_v))

    plsc.subcore_barrier()

    @pl.loop(s, RCH, step=NS)
    def _wb(j):
        pltpu.sync_copy(acc.at[pl.ds(j * CH, CH)],
                        agg_hbm.at[pl.ds(c * N + j * CH, CH)])
        pltpu.sync_copy(dacc.at[pl.ds(j * CH, CH)],
                        deg_hbm.at[pl.ds(c * N + j * CH, CH)])


def _segsum_body(feat_hbm, src_hbm, dst_hbm, zrow_hbm,
                 agg_hbm, acc, idx_all, dst_all, rows0, rows1,
                 sg0, sg1):
    c = lax.axis_index("c")
    s = lax.axis_index("s")
    w = c * NS + s

    pltpu.sync_copy(src_hbm.at[pl.ds(w * EPW, EPW)], idx_all)
    pltpu.sync_copy(dst_hbm.at[pl.ds(w * EPW, EPW)], dst_all)
    pltpu.sync_copy(zrow_hbm, rows0)

    @pl.loop(s, RCH, step=NS)
    def _zero(j):
        pltpu.sync_copy(rows0, acc.at[pl.ds(j * CH, CH)])

    plsc.subcore_barrier()

    _edge_pipeline(feat_hbm, idx_all, dst_all, acc,
                   rows0, rows1, sg0, sg1)

    plsc.subcore_barrier()

    @pl.loop(s, RCH, step=NS)
    def _wb(j):
        pltpu.sync_copy(acc.at[pl.ds(j * CH, CH)],
                        agg_hbm.at[pl.ds(c * N + j * CH, CH)])


@functools.lru_cache(maxsize=None)
def _make_segsum_deg():
    return pl.kernel(
        _segsum_deg_body,
        out_type=(jax.ShapeDtypeStruct((NC * N, D), _F32),
                  jax.ShapeDtypeStruct((NC * N,), _F32)),
        mesh=_mesh(),
        compiler_params=_SC_PARAMS,
        scratch_types=[
            pltpu.VMEM_SHARED((N, D), _F32),
            pltpu.VMEM_SHARED((N,), _F32),
            pltpu.VMEM((EPW,), jnp.int32),
            pltpu.VMEM((EPW,), jnp.int32),
            pltpu.VMEM((CH, D), _F32),
            pltpu.VMEM((CH, D), _F32),
            pltpu.VMEM((CH,), _F32),
            pltpu.VMEM((CH,), _F32),
            pltpu.SemaphoreType.DMA,
            pltpu.SemaphoreType.DMA,
        ],
    )


@functools.lru_cache(maxsize=None)
def _make_segsum():
    return pl.kernel(
        _segsum_body,
        out_type=(jax.ShapeDtypeStruct((NC * N, D), _F32),),
        mesh=_mesh(),
        compiler_params=_SC_PARAMS,
        scratch_types=[
            pltpu.VMEM_SHARED((N, D), _F32),
            pltpu.VMEM((EPW,), jnp.int32),
            pltpu.VMEM((EPW,), jnp.int32),
            pltpu.VMEM((CH, D), _F32),
            pltpu.VMEM((CH, D), _F32),
            pltpu.SemaphoreType.DMA,
            pltpu.SemaphoreType.DMA,
        ],
    )


def _sc_scores_body(p_hbm, q_hbm, p0_hbm, p1_hbm, n0_hbm, n1_hbm,
                    pos_hbm, neg_hbm, pv, qv, ia, ib, ov):
    c = lax.axis_index("c")
    s = lax.axis_index("s")
    w = c * NS + s
    base = w * LPW
    pltpu.sync_copy(p_hbm, pv)
    pltpu.sync_copy(q_hbm, qv)
    for i0_hbm, i1_hbm, o_hbm in ((p0_hbm, p1_hbm, pos_hbm),
                                  (n0_hbm, n1_hbm, neg_hbm)):
        pltpu.sync_copy(i0_hbm.at[pl.ds(base, LPW)], ia)
        pltpu.sync_copy(i1_hbm.at[pl.ds(base, LPW)], ib)

        @pl.loop(0, LPW, step=16)
        def _blk(k):
            i0 = ia[pl.ds(k, 16)]
            i1 = ib[pl.ds(k, 16)]
            ov[pl.ds(k, 16)] = (plsc.load_gather(pv, [i0])
                                + plsc.load_gather(qv, [i1]))

        pltpu.sync_copy(ov, o_hbm.at[pl.ds(base, LPW)])


@functools.lru_cache(maxsize=None)
def _make_sc_scores():
    return pl.kernel(
        _sc_scores_body,
        out_type=(jax.ShapeDtypeStruct((L,), _F32),
                  jax.ShapeDtypeStruct((L,), _F32)),
        mesh=_mesh(),
        compiler_params=_SC_GATHER_PARAMS,
        scratch_types=[
            pltpu.VMEM((N,), _F32),
            pltpu.VMEM((N,), _F32),
            pltpu.VMEM((LPW,), jnp.int32),
            pltpu.VMEM((LPW,), jnp.int32),
            pltpu.VMEM((LPW,), _F32),
        ],
    )


_RB = 1000


def _tc1_body(a0, a1, d0, d1, x, w1l_t, w1r_t, b1, h1, dinv):
    deg = d0[...] + d1[...]
    inv = 1.0 / jnp.maximum(deg, 1.0)
    mean = (a0[...] + a1[...]) * inv
    h = (jnp.dot(mean, w1l_t[...], preferred_element_type=_F32) + b1[...]
         + jnp.dot(x[...], w1r_t[...], preferred_element_type=_F32))
    h1[...] = jnp.maximum(h, 0.0)
    dinv[...] = inv


def _tc2_body(a0, a1, dv, h1, w2l_t, w2r_t, b2, wa, wb, bl, p, q):
    mean = (a0[...] + a1[...]) * dv[...]
    h2 = (jnp.dot(mean, w2l_t[...], preferred_element_type=_F32) + b2[...]
          + jnp.dot(h1[...], w2r_t[...], preferred_element_type=_F32))
    p[...] = jnp.dot(h2, wa[...], preferred_element_type=_F32) + bl[...]
    q[...] = jnp.dot(h2, wb[...], preferred_element_type=_F32)


def _row_spec(cols):
    return pl.BlockSpec((_RB, cols), lambda i: (i, 0))


def _full_spec(r, c):
    return pl.BlockSpec((r, c), lambda i: (0, 0))


_tc1 = pl.pallas_call(
    _tc1_body,
    grid=(N // _RB,),
    in_specs=[_row_spec(D), _row_spec(D), _row_spec(1), _row_spec(1),
              _row_spec(D), _full_spec(D, H), _full_spec(D, H),
              _full_spec(1, H)],
    out_specs=[_row_spec(H), _row_spec(1)],
    out_shape=(jax.ShapeDtypeStruct((N, H), _F32),
               jax.ShapeDtypeStruct((N, 1), _F32)),
)

_tc2 = pl.pallas_call(
    _tc2_body,
    grid=(N // _RB,),
    in_specs=[_row_spec(D), _row_spec(D), _row_spec(1), _row_spec(H),
              _full_spec(H, H), _full_spec(H, H), _full_spec(1, H),
              _full_spec(H, 1), _full_spec(H, 1), _full_spec(1, 1)],
    out_specs=[_row_spec(1), _row_spec(1)],
    out_shape=(jax.ShapeDtypeStruct((N, 1), _F32),
               jax.ShapeDtypeStruct((N, 1), _F32)),
)


def kernel(x, edge_index, pos_edge_label_index, neg_edge_label_index,
           W1l, b1l, W1r, W2l, b2l, W2r, Wlin, blin):
    src = edge_index[0]
    dst = edge_index[1]
    zrow = jnp.zeros((CH, D), _F32)
    zdeg = jnp.zeros((CH,), _F32)
    ones = jnp.ones((CH,), _F32)

    agg1, degp = _make_segsum_deg()(x, src, dst, zrow, zdeg, ones)
    h1, dinv = _tc1(agg1[:N], agg1[N:], degp[:N].reshape(N, 1),
                    degp[N:].reshape(N, 1), x,
                    W1l.T, W1r.T, b1l.reshape(1, H))
    (agg2,) = _make_segsum()(h1, src, dst, zrow)
    p, q = _tc2(agg2[:N], agg2[N:], dinv, h1, W2l.T, W2r.T, b2l.reshape(1, H),
                Wlin[0, :H].reshape(H, 1), Wlin[0, H:].reshape(H, 1),
                blin.reshape(1, 1))
    pos_s, neg_s = _make_sc_scores()(
        p.reshape(N), q.reshape(N),
        pos_edge_label_index[0], pos_edge_label_index[1],
        neg_edge_label_index[0], neg_edge_label_index[1])
    return (pos_s, neg_s)

# --- scband reference (transcript-rebuilt; emitter-appended) ---
"""Pipeline reference for scband-link-predictor-87900800680116 (READ-ONLY COPY).

The authoritative reference and input builder live on the scoring server;
editing this copy changes nothing except your own understanding.
"""

import jax, jax.numpy as jnp
import numpy as np

N = 10000
E = 320000
D = 128
H = 128
L = 65536


def setup_inputs(seed: int = 0) -> dict:
    key = jax.random.key(seed)
    ks = jax.random.split(key, 13)
    x = jax.random.normal(ks[0], (N, D), dtype=jnp.float32)
    edge_index = jax.random.randint(ks[1], (2, E), 0, N, dtype=jnp.int32)
    pos_edge_label_index = jax.random.randint(ks[2], (2, L), 0, N, dtype=jnp.int32)
    neg_edge_label_index = jax.random.randint(ks[3], (2, L), 0, N, dtype=jnp.int32)
    # SAGEConv 1: lin_l (aggregated neighbors, with bias), lin_r (root, no bias)
    W1l = jax.random.normal(ks[4], (H, D), dtype=jnp.float32) * (1.0 / np.sqrt(D))
    b1l = jnp.zeros((H,), dtype=jnp.float32)
    W1r = jax.random.normal(ks[5], (H, D), dtype=jnp.float32) * (1.0 / np.sqrt(D))
    # SAGEConv 2
    W2l = jax.random.normal(ks[6], (H, H), dtype=jnp.float32) * (1.0 / np.sqrt(H))
    b2l = jnp.zeros((H,), dtype=jnp.float32)
    W2r = jax.random.normal(ks[7], (H, H), dtype=jnp.float32) * (1.0 / np.sqrt(H))
    # final link scorer: Linear(2*H, 1)
    Wlin = jax.random.normal(ks[8], (1, 2 * H), dtype=jnp.float32) * (1.0 / np.sqrt(2 * H))
    blin = jnp.zeros((1,), dtype=jnp.float32)
    return {
        "x": x,
        "edge_index": edge_index,
        "pos_edge_label_index": pos_edge_label_index,
        "neg_edge_label_index": neg_edge_label_index,
        "W1l": W1l, "b1l": b1l, "W1r": W1r,
        "W2l": W2l, "b2l": b2l, "W2r": W2r,
        "Wlin": Wlin, "blin": blin,
    }


def _sage_conv(x, src, dst, Wl, bl, Wr, num_nodes):
    # mean aggregation of source features at destination nodes
    msgs = x[src]  # gather [E, d]
    agg = jax.ops.segment_sum(msgs, dst, num_segments=num_nodes)
    deg = jax.ops.segment_sum(jnp.ones((src.shape[0],), jnp.float32), dst, num_segments=num_nodes)
    mean = agg / jnp.clip(deg, 1.0)[:, None]
    return mean @ Wl.T + bl + x @ Wr.T


def reference(x, edge_index, pos_edge_label_index, neg_edge_label_index,
              W1l, b1l, W1r, W2l, b2l, W2r, Wlin, blin):
    src, dst = edge_index[0], edge_index[1]
    h = _sage_conv(x, src, dst, W1l, b1l, W1r, N)
    h = jax.nn.relu(h)
    h = _sage_conv(h, src, dst, W2l, b2l, W2r, N)
    pos_h = jnp.concatenate([h[pos_edge_label_index[0]], h[pos_edge_label_index[1]]], axis=1)
    neg_h = jnp.concatenate([h[neg_edge_label_index[0]], h[neg_edge_label_index[1]]], axis=1)
    pos_score = (pos_h @ Wlin.T + blin).reshape(-1)
    neg_score = (neg_h @ Wlin.T + blin).reshape(-1)
    return (pos_score, neg_score)

if __name__ == "__main__":
    import jax
    _d = setup_inputs()
    print(jax.jit(kernel)(*tuple(_d.values())))

</pallas_src>

<mosaic_0001>
#map = affine_map<(d0, d1) -> (0, 0)>
#map1 = affine_map<(d0, d1) -> (0)>
module attributes {stable_mosaic.version = 14 : i64} {
  func.func @_segsum_deg_body(%arg0: i32, %arg1: i32, %arg2: memref<10000x128xf32, #tpu.memory_space<hbm>>, %arg3: memref<320000xi32, #tpu.memory_space<hbm>>, %arg4: memref<320000xi32, #tpu.memory_space<hbm>>, %arg5: memref<80x128xf32, #tpu.memory_space<hbm>>, %arg6: memref<80xf32, #tpu.memory_space<hbm>>, %arg7: memref<80xf32, #tpu.memory_space<hbm>>, %arg8: memref<20000x128xf32, #tpu.memory_space<hbm>>, %arg9: memref<20000xf32, #tpu.memory_space<hbm>>, %arg10: memref<10000x128xf32, #tpu.memory_space<vmem_shared>>, %arg11: memref<10000xf32, #tpu.memory_space<vmem_shared>>, %arg12: memref<10000xi32, #tpu.memory_space<vmem>>, %arg13: memref<10000xi32, #tpu.memory_space<vmem>>, %arg14: memref<80x128xf32, #tpu.memory_space<vmem>>, %arg15: memref<80x128xf32, #tpu.memory_space<vmem>>, %arg16: memref<80xf32, #tpu.memory_space<vmem>>, %arg17: memref<80xf32, #tpu.memory_space<vmem>>, %arg18: memref<!tpu.dma_semaphore, #tpu.memory_space<semaphore_mem>>, %arg19: memref<!tpu.dma_semaphore, #tpu.memory_space<semaphore_mem>>) attributes {dimension_semantics = [#tpu.dimension_semantics<core_parallel>, #tpu.dimension_semantics<subcore_parallel>], iteration_bounds = array<i64: 2, 16>, scalar_prefetch = 0 : i64, scratch_operands = 10 : i64, tpu.core_type = #tpu.core_type<sc_vector_subcore>, window_params = [{transform_indices = #map}, {transform_indices = #map1}, {transform_indices = #map1}, {transform_indices = #map}, {transform_indices = #map1}, {transform_indices = #map1}, {transform_indices = #map}, {transform_indices = #map1}]} {
    %mul3A = arith.constant 16 : i32
    %mul3A_0 = arith.muli %arg0, %mul3A : i32
    %add3A = arith.addi %mul3A_0, %arg1 : i32
    %mul3A_1 = arith.constant 10000 : i32
    %mul3A_2 = arith.muli %add3A, %mul3A_1 : i32
    "tpu.region"() ({
      %run_scoped3A = tpu.sem_alloc : memref<!tpu.dma_semaphore, #tpu.memory_space<semaphore_mem>>
      %dma_start3A_51 = tpu.memref_slice %arg3[%mul3A_2] : memref<320000xi32, #tpu.memory_space<hbm>> -> memref<10000xi32, #tpu.memory_space<hbm>>
      %dma_start3A_52 = tpu.memref_slice %arg3[%mul3A_2] : memref<320000xi32, #tpu.memory_space<hbm>> -> memref<10000xi32, #tpu.memory_space<hbm>>
      tpu.enqueue_dma source(%dma_start3A_52 : memref<10000xi32, #tpu.memory_space<hbm>>) target(%arg12 : memref<10000xi32, #tpu.memory_space<vmem>>) target_semaphore(%run_scoped3A : memref<!tpu.dma_semaphore, #tpu.memory_space<semaphore_mem>>)
      %dma_wait3A_53 = tpu.memref_slice %arg3[%mul3A_2] : memref<320000xi32, #tpu.memory_space<hbm>> -> memref<10000xi32, #tpu.memory_space<hbm>>
      %dma_wait3A_54 = tpu.memref_slice %arg3[%mul3A_2] : memref<320000xi32, #tpu.memory_space<hbm>> -> memref<10000xi32, #tpu.memory_space<hbm>>
      tpu.wait_dma2 semaphore(%run_scoped3A : memref<!tpu.dma_semaphore, #tpu.memory_space<semaphore_mem>>) src(%dma_wait3A_54 : memref<10000xi32, #tpu.memory_space<hbm>>) dst(%arg12 : memref<10000xi32, #tpu.memory_space<vmem>>)
      tpu.yield
    }) : () -> ()
    %mul3A_3 = arith.constant 10000 : i32
    %mul3A_4 = arith.muli %add3A, %mul3A_3 : i32
    "tpu.region"() ({
      %run_scoped3A = tpu.sem_alloc : memref<!tpu.dma_semaphore, #tpu.memory_space<semaphore_mem>>
      %dma_start3A_51 = tpu.memref_slice %arg4[%mul3A_4] : memref<320000xi32, #tpu.memory_space<hbm>> -> memref<10000xi32, #tpu.memory_space<hbm>>
      %dma_start3A_52 = tpu.memref_slice %arg4[%mul3A_4] : memref<320000xi32, #tpu.memory_space<hbm>> -> memref<10000xi32, #tpu.memory_space<hbm>>
      tpu.enqueue_dma source(%dma_start3A_52 : memref<10000xi32, #tpu.memory_space<hbm>>) target(%arg13 : memref<10000xi32, #tpu.memory_space<vmem>>) target_semaphore(%run_scoped3A : memref<!tpu.dma_semaphore, #tpu.memory_space<semaphore_mem>>)
      %dma_wait3A_53 = tpu.memref_slice %arg4[%mul3A_4] : memref<320000xi32, #tpu.memory_space<hbm>> -> memref<10000xi32, #tpu.memory_space<hbm>>
      %dma_wait3A_54 = tpu.memref_slice %arg4[%mul3A_4] : memref<320000xi32, #tpu.memory_space<hbm>> -> memref<10000xi32, #tpu.memory_space<hbm>>
      tpu.wait_dma2 semaphore(%run_scoped3A : memref<!tpu.dma_semaphore, #tpu.memory_space<semaphore_mem>>) src(%dma_wait3A_54 : memref<10000xi32, #tpu.memory_space<hbm>>) dst(%arg13 : memref<10000xi32, #tpu.memory_space<vmem>>)
      tpu.yield
    }) : () -> ()
    "tpu.region"() ({
      %run_scoped3A = tpu.sem_alloc : memref<!tpu.dma_semaphore, #tpu.memory_space<semaphore_mem>>
      tpu.enqueue_dma source(%arg5 : memref<80x128xf32, #tpu.memory_space<hbm>>) target(%arg14 : memref<80x128xf32, #tpu.memory_space<vmem>>) target_semaphore(%run_scoped3A : memref<!tpu.dma_semaphore, #tpu.memory_space<semaphore_mem>>)
      tpu.wait_dma2 semaphore(%run_scoped3A : memref<!tpu.dma_semaphore, #tpu.memory_space<semaphore_mem>>) src(%arg5 : memref<80x128xf32, #tpu.memory_space<hbm>>) dst(%arg14 : memref<80x128xf32, #tpu.memory_space<vmem>>)
      tpu.yield
    }) : () -> ()
    "tpu.region"() ({
      %run_scoped3A = tpu.sem_alloc : memref<!tpu.dma_semaphore, #tpu.memory_space<semaphore_mem>>
      tpu.enqueue_dma source(%arg6 : memref<80xf32, #tpu.memory_space<hbm>>) target(%arg17 : memref<80xf32, #tpu.memory_space<vmem>>) target_semaphore(%run_scoped3A : memref<!tpu.dma_semaphore, #tpu.memory_space<semaphore_mem>>)
      tpu.wait_dma2 semaphore(%run_scoped3A : memref<!tpu.dma_semaphore, #tpu.memory_space<semaphore_mem>>) src(%arg6 : memref<80xf32, #tpu.memory_space<hbm>>) dst(%arg17 : memref<80xf32, #tpu.memory_space<vmem>>)
      tpu.yield
    }) : () -> ()
    %sub3A = arith.constant 125 : i32
    %sub3A_5 = arith.subi %sub3A, %arg1 : i32
    %sub3A_6 = arith.constant 16 : i32
    %sub3A_7 = arith.constant 1 : i32
    %sub3A_8 = arith.subi %sub3A_6, %sub3A_7 : i32
    %add3A_9 = arith.addi %sub3A_5, %sub3A_8 : i32
    %div3A = arith.constant 16 : i32
    %div3A_10 = arith.divsi %add3A_9, %div3A : i32
    %while3A = arith.constant 16 : i32
    %while3A_11 = arith.constant 0 : i32
    %while3A_12 = arith.subi %div3A_10, %while3A_11 : i32
    %while3A_13 = arith.addi %while3A_11, %while3A_12 : i32
    %while3A_14 = arith.constant 1 : i32
    %while3A_15 = arith.divsi %while3A_12, %while3A_14 : i32
    %while3A_16 = arith.muli %while3A_15, %while3A_14 : i32
    %while3A_17 = arith.addi %while3A_11, %while3A_16 : i32
    %while3A_18 = arith.constant 1 : i32
    scf.for %while3A_51 = %while3A_11 to %while3A_17 step %while3A_18  : i32 {
      %mul3A_52 = arith.muli %while3A_51, %while3A : i32
      %add3A_53 = arith.addi %arg1, %mul3A_52 : i32
      %mul3A_54 = arith.constant 80 : i32
      %mul3A_55 = arith.muli %add3A_53, %mul3A_54 : i32
      "tpu.region"() ({
        %run_scoped3A = tpu.sem_alloc : memref<!tpu.dma_semaphore, #tpu.memory_space<semaphore_mem>>
        %dma_start3A_58 = arith.constant 0 : i32
        %dma_start3A_59 = tpu.memref_slice %arg10[%mul3A_55, %dma_start3A_58] : memref<10000x128xf32, #tpu.memory_space<vmem_shared>> -> memref<80x128xf32, #tpu.memory_space<vmem_shared>>
        %dma_start3A_60 = arith.constant 0 : i32
        %dma_start3A_61 = tpu.memref_slice %arg10[%mul3A_55, %dma_start3A_60] : memref<10000x128xf32, #tpu.memory_space<vmem_shared>> -> memref<80x128xf32, #tpu.memory_space<vmem_shared>>
        tpu.enqueue_dma source(%arg14 : memref<80x128xf32, #tpu.memory_space<vmem>>) target(%dma_start3A_61 : memref<80x128xf32, #tpu.memory_space<vmem_shared>>) target_semaphore(%run_scoped3A : memref<!tpu.dma_semaphore, #tpu.memory_space<semaphore_mem>>)
        %dma_wait3A_62 = arith.constant 0 : i32
        %dma_wait3A_63 = tpu.memref_slice %arg10[%mul3A_55, %dma_wait3A_62] : memref<10000x128xf32, #tpu.memory_space<vmem_shared>> -> memref<80x128xf32, #tpu.memory_space<vmem_shared>>
        %dma_wait3A_64 = arith.constant 0 : i32
        %dma_wait3A_65 = tpu.memref_slice %arg10[%mul3A_55, %dma_wait3A_64] : memref<10000x128xf32, #tpu.memory_space<vmem_shared>> -> memref<80x128xf32, #tpu.memory_space<vmem_shared>>
        tpu.wait_dma2 semaphore(%run_scoped3A : memref<!tpu.dma_semaphore, #tpu.memory_space<semaphore_mem>>) src(%arg14 : memref<80x128xf32, #tpu.memory_space<vmem>>) dst(%dma_wait3A_65 : memref<80x128xf32, #tpu.memory_space<vmem_shared>>)
        tpu.yield
      }) : () -> ()
      %mul3A_56 = arith.constant 80 : i32
      %mul3A_57 = arith.muli %add3A_53, %mul3A_56 : i32
      "tpu.region"() ({
        %run_scoped3A = tpu.sem_alloc : memref<!tpu.dma_semaphore, #tpu.memory_space<semaphore_mem>>
        %dma_start3A_58 = tpu.memref_slice %arg11[%mul3A_57] : memref<10000xf32, #tpu.memory_space<vmem_shared>> -> memref<80xf32, #tpu.memory_space<vmem_shared>>
        %dma_start3A_59 = tpu.memref_slice %arg11[%mul3A_57] : memref<10000xf32, #tpu.memory_space<vmem_shared>> -> memref<80xf32, #tpu.memory_space<vmem_shared>>
        tpu.enqueue_dma source(%arg17 : memref<80xf32, #tpu.memory_space<vmem>>) target(%dma_start3A_59 : memref<80xf32, #tpu.memory_space<vmem_shared>>) target_semaphore(%run_scoped3A : memref<!tpu.dma_semaphore, #tpu.memory_space<semaphore_mem>>)
        %dma_wait3A_60 = tpu.memref_slice %arg11[%mul3A_57] : memref<10000xf32, #tpu.memory_space<vmem_shared>> -> memref<80xf32, #tpu.memory_space<vmem_shared>>
        %dma_wait3A_61 = tpu.memref_slice %arg11[%mul3A_57] : memref<10000xf32, #tpu.memory_space<vmem_shared>> -> memref<80xf32, #tpu.memory_space<vmem_shared>>
        tpu.wait_dma2 semaphore(%run_scoped3A : memref<!tpu.dma_semaphore, #tpu.memory_space<semaphore_mem>>) src(%arg17 : memref<80xf32, #tpu.memory_space<vmem>>) dst(%dma_wait3A_61 : memref<80xf32, #tpu.memory_space<vmem_shared>>)
        tpu.yield
      }) : () -> ()
    }
    %while3A_19 = arith.constant 1 : i32
    scf.for %while3A_51 = %while3A_17 to %while3A_13 step %while3A_19  : i32 {
      %mul3A_52 = arith.muli %while3A_51, %while3A : i32
      %add3A_53 = arith.addi %arg1, %mul3A_52 : i32
      %mul3A_54 = arith.constant 80 : i32
      %mul3A_55 = arith.muli %add3A_53, %mul3A_54 : i32
      "tpu.region"() ({
        %run_scoped3A = tpu.sem_alloc : memref<!tpu.dma_semaphore, #tpu.memory_space<semaphore_mem>>
        %dma_start3A_58 = arith.constant 0 : i32
        %dma_start3A_59 = tpu.memref_slice %arg10[%mul3A_55, %dma_start3A_58] : memref<10000x128xf32, #tpu.memory_space<vmem_shared>> -> memref<80x128xf32, #tpu.memory_space<vmem_shared>>
        %dma_start3A_60 = arith.constant 0 : i32
        %dma_start3A_61 = tpu.memref_slice %arg10[%mul3A_55, %dma_start3A_60] : memref<10000x128xf32, #tpu.memory_space<vmem_shared>> -> memref<80x128xf32, #tpu.memory_space<vmem_shared>>
        tpu.enqueue_dma source(%arg14 : memref<80x128xf32, #tpu.memory_space<vmem>>) target(%dma_start3A_61 : memref<80x128xf32, #tpu.memory_space<vmem_shared>>) target_semaphore(%run_scoped3A : memref<!tpu.dma_semaphore, #tpu.memory_space<semaphore_mem>>)
        %dma_wait3A_62 = arith.constant 0 : i32
        %dma_wait3A_63 = tpu.memref_slice %arg10[%mul3A_55, %dma_wait3A_62] : memref<10000x128xf32, #tpu.memory_space<vmem_shared>> -> memref<80x128xf32, #tpu.memory_space<vmem_shared>>
        %dma_wait3A_64 = arith.constant 0 : i32
        %dma_wait3A_65 = tpu.memref_slice %arg10[%mul3A_55, %dma_wait3A_64] : memref<10000x128xf32, #tpu.memory_space<vmem_shared>> -> memref<80x128xf32, #tpu.memory_space<vmem_shared>>
        tpu.wait_dma2 semaphore(%run_scoped3A : memref<!tpu.dma_semaphore, #tpu.memory_space<semaphore_mem>>) src(%arg14 : memref<80x128xf32, #tpu.memory_space<vmem>>) dst(%dma_wait3A_65 : memref<80x128xf32, #tpu.memory_space<vmem_shared>>)
        tpu.yield
      }) : () -> ()
      %mul3A_56 = arith.constant 80 : i32
      %mul3A_57 = arith.muli %add3A_53, %mul3A_56 : i32
      "tpu.region"() ({
        %run_scoped3A = tpu.sem_alloc : memref<!tpu.dma_semaphore, #tpu.memory_space<semaphore_mem>>
        %dma_start3A_58 = tpu.memref_slice %arg11[%mul3A_57] : memref<10000xf32, #tpu.memory_space<vmem_shared>> -> memref<80xf32, #tpu.memory_space<vmem_shared>>
        %dma_start3A_59 = tpu.memref_slice %arg11[%mul3A_57] : memref<10000xf32, #tpu.memory_space<vmem_shared>> -> memref<80xf32, #tpu.memory_space<vmem_shared>>
        tpu.enqueue_dma source(%arg17 : memref<80xf32, #tpu.memory_space<vmem>>) target(%dma_start3A_59 : memref<80xf32, #tpu.memory_space<vmem_shared>>) target_semaphore(%run_scoped3A : memref<!tpu.dma_semaphore, #tpu.memory_space<semaphore_mem>>)
        %dma_wait3A_60 = tpu.memref_slice %arg11[%mul3A_57] : memref<10000xf32, #tpu.memory_space<vmem_shared>> -> memref<80xf32, #tpu.memory_space<vmem_shared>>
        %dma_wait3A_61 = tpu.memref_slice %arg11[%mul3A_57] : memref<10000xf32, #tpu.memory_space<vmem_shared>> -> memref<80xf32, #tpu.memory_space<vmem_shared>>
        tpu.wait_dma2 semaphore(%run_scoped3A : memref<!tpu.dma_semaphore, #tpu.memory_space<semaphore_mem>>) src(%arg17 : memref<80xf32, #tpu.memory_space<vmem>>) dst(%dma_wait3A_61 : memref<80xf32, #tpu.memory_space<vmem_shared>>)
        tpu.yield
      }) : () -> ()
    }
    "tpu.region"() ({
      %run_scoped3A = tpu.sem_alloc : memref<!tpu.dma_semaphore, #tpu.memory_space<semaphore_mem>>
      tpu.enqueue_dma source(%arg7 : memref<80xf32, #tpu.memory_space<hbm>>) target(%arg16 : memref<80xf32, #tpu.memory_space<vmem>>) target_semaphore(%run_scoped3A : memref<!tpu.dma_semaphore, #tpu.memory_space<semaphore_mem>>)
      tpu.wait_dma2 semaphore(%run_scoped3A : memref<!tpu.dma_semaphore, #tpu.memory_space<semaphore_mem>>) src(%arg7 : memref<80xf32, #tpu.memory_space<hbm>>) dst(%arg16 : memref<80xf32, #tpu.memory_space<vmem>>)
      tpu.yield
    }) : () -> ()
    %barrier3A = arith.constant 0 : index
    tpu.barrier barrier_id(%barrier3A)
    %dma_start3A = arith.constant 0 : i32
    %dma_start3A_20 = tpu.memref_slice %arg12[%dma_start3A] : memref<10000xi32, #tpu.memory_space<vmem>> -> memref<80xi32, #tpu.memory_space<vmem>>
    %dma_start3A_21 = arith.constant 0 : i32
    %dma_start3A_22 = arith.constant 0 : i32
    %dma_start3A_23 = tpu.memref_slice %arg2[%dma_start3A_21, %dma_start3A_22] : memref<10000x128xf32, #tpu.memory_space<hbm>> -> memref<10000x128xf32, #tpu.memory_space<hbm>>
    tpu.enqueue_indirect_dma source(%dma_start3A_23 : memref<10000x128xf32, #tpu.memory_space<hbm>>) target(%arg14 : memref<80x128xf32, #tpu.memory_space<vmem>>) offsets(%dma_start3A_20 : memref<80xi32, #tpu.memory_space<vmem>>) semaphore(%arg18 : memref<!tpu.dma_semaphore, #tpu.memory_space<semaphore_mem>>)
    %scan3A = arith.constant 0 : i32
    %scan3A_24 = arith.constant 62 : i32
    %scan3A_25 = arith.addi %scan3A, %scan3A_24 : i32
    %scan3A_26 = arith.constant 1 : i32
    scf.for %scan3A_51 = %scan3A to %scan3A_25 step %scan3A_26  : i32 {
      %mul3A_52 = arith.constant 2 : i32
      %mul3A_53 = arith.muli %scan3A_51, %mul3A_52 : i32
      %add3A_54 = arith.constant 0 : i32
      %add3A_55 = arith.addi %add3A_54, %mul3A_53 : i32
      %add3A_56 = arith.constant 1 : i32
      %add3A_57 = arith.addi %add3A_55, %add3A_56 : i32
      %mul3A_58 = arith.constant 80 : i32
      %mul3A_59 = arith.muli %add3A_57, %mul3A_58 : i32
      %dma_start3A_60 = tpu.memref_slice %arg12[%mul3A_59] : memref<10000xi32, #tpu.memory_space<vmem>> -> memref<80xi32, #tpu.memory_space<vmem>>
      %dma_start3A_61 = arith.constant 0 : i32
      %dma_start3A_62 = arith.constant 0 : i32
      %dma_start3A_63 = tpu.memref_slice %arg2[%dma_start3A_61, %dma_start3A_62] : memref<10000x128xf32, #tpu.memory_space<hbm>> -> memref<10000x128xf32, #tpu.memory_space<hbm>>
      tpu.enqueue_indirect_dma source(%dma_start3A_63 : memref<10000x128xf32, #tpu.memory_space<hbm>>) target(%arg15 : memref<80x128xf32, #tpu.memory_space<vmem>>) offsets(%dma_start3A_60 : memref<80xi32, #tpu.memory_space<vmem>>) semaphore(%arg19 : memref<!tpu.dma_semaphore, #tpu.memory_space<semaphore_mem>>)
      %mul3A_64 = arith.constant 80 : i32
      %mul3A_65 = arith.muli %add3A_55, %mul3A_64 : i32
      %dma_wait3A_66 = tpu.memref_slice %arg12[%mul3A_65] : memref<10000xi32, #tpu.memory_space<vmem>> -> memref<80xi32, #tpu.memory_space<vmem>>
      %dma_wait3A_67 = arith.constant 0 : i32
      %dma_wait3A_68 = arith.constant 0 : i32
      %dma_wait3A_69 = tpu.memref_slice %arg2[%dma_wait3A_67, %dma_wait3A_68] : memref<10000x128xf32, #tpu.memory_space<hbm>> -> memref<10000x128xf32, #tpu.memory_space<hbm>>
      tpu.wait_indirect_dma semaphore(%arg18 : memref<!tpu.dma_semaphore, #tpu.memory_space<semaphore_mem>>) src(%dma_wait3A_69 : memref<10000x128xf32, #tpu.memory_space<hbm>>) dst(%arg14 : memref<80x128xf32, #tpu.memory_space<vmem>>)
      %mul3A_70 = arith.constant 80 : i32
      %mul3A_71 = arith.muli %add3A_55, %mul3A_70 : i32
      "tpu.region"() ({
        %run_scoped3A = tpu.sem_alloc : memref<!tpu.dma_semaphore, #tpu.memory_space<semaphore_mem>>
        %dma_start3A_94 = tpu.memref_slice %arg13[%mul3A_71] : memref<10000xi32, #tpu.memory_space<vmem>> -> memref<80xi32, #tpu.memory_space<vmem>>
        %dma_start3A_95 = arith.constant 0 : i32
        %dma_start3A_96 = arith.constant 0 : i32
        %dma_start3A_97 = tpu.memref_slice %arg10[%dma_start3A_95, %dma_start3A_96] : memref<10000x128xf32, #tpu.memory_space<vmem_shared>> -> memref<10000x128xf32, #tpu.memory_space<vmem_shared>>
        tpu.enqueue_indirect_dma source(%arg14 : memref<80x128xf32, #tpu.memory_space<vmem>>) target(%dma_start3A_97 : memref<10000x128xf32, #tpu.memory_space<vmem_shared>>) offsets(%dma_start3A_94 : memref<80xi32, #tpu.memory_space<vmem>>) semaphore(%run_scoped3A : memref<!tpu.dma_semaphore, #tpu.memory_space<semaphore_mem>>) {add = true}
        %dma_wait3A_98 = tpu.memref_slice %arg13[%mul3A_71] : memref<10000xi32, #tpu.memory_space<vmem>> -> memref<80xi32, #tpu.memory_space<vmem>>
        %dma_wait3A_99 = arith.constant 0 : i32
        %dma_wait3A_100 = arith.constant 0 : i32
        %dma_wait3A_101 = tpu.memref_slice %arg10[%dma_wait3A_99, %dma_wait3A_100] : memref<10000x128xf32, #tpu.memory_space<vmem_shared>> -> memref<10000x128xf32, #tpu.memory_space<vmem_shared>>
        tpu.wait_indirect_dma semaphore(%run_scoped3A : memref<!tpu.dma_semaphore, #tpu.memory_space<semaphore_mem>>) src(%arg14 : memref<80x128xf32, #tpu.memory_space<vmem>>) dst(%dma_wait3A_101 : memref<10000x128xf32, #tpu.memory_space<vmem_shared>>)
        tpu.yield
      }) : () -> ()
      %mul3A_72 = arith.constant 80 : i32
      %mul3A_73 = arith.muli %add3A_55, %mul3A_72 : i32
      "tpu.region"() ({
        %run_scoped3A = tpu.sem_alloc : memref<!tpu.dma_semaphore, #tpu.memory_space<semaphore_mem>>
        %dma_start3A_94 = tpu.memref_slice %arg13[%mul3A_73] : memref<10000xi32, #tpu.memory_space<vmem>> -> memref<80xi32, #tpu.memory_space<vmem>>
        %dma_start3A_95 = arith.constant 0 : i32
        %dma_start3A_96 = tpu.memref_slice %arg11[%dma_start3A_95] : memref<10000xf32, #tpu.memory_space<vmem_shared>> -> memref<10000xf32, #tpu.memory_space<vmem_shared>>
        tpu.enqueue_indirect_dma source(%arg16 : memref<80xf32, #tpu.memory_space<vmem>>) target(%dma_start3A_96 : memref<10000xf32, #tpu.memory_space<vmem_shared>>) offsets(%dma_start3A_94 : memref<80xi32, #tpu.memory_space<vmem>>) semaphore(%run_scoped3A : memref<!tpu.dma_semaphore, #tpu.memory_space<semaphore_mem>>) {add = true}
        %dma_wait3A_97 = tpu.memref_slice %arg13[%mul3A_73] : memref<10000xi32, #tpu.memory_space<vmem>> -> memref<80xi32, #tpu.memory_space<vmem>>
        %dma_wait3A_98 = arith.constant 0 : i32
        %dma_wait3A_99 = tpu.memref_slice %arg11[%dma_wait3A_98] : memref<10000xf32, #tpu.memory_space<vmem_shared>> -> memref<10000xf32, #tpu.memory_space<vmem_shared>>
        tpu.wait_indirect_dma semaphore(%run_scoped3A : memref<!tpu.dma_semaphore, #tpu.memory_space<semaphore_mem>>) src(%arg16 : memref<80xf32, #tpu.memory_space<vmem>>) dst(%dma_wait3A_99 : memref<10000xf32, #tpu.memory_space<vmem_shared>>)
        tpu.yield
      }) : () -> ()
      %add3A_74 = arith.constant 2 : i32
      %add3A_75 = arith.addi %add3A_55, %add3A_74 : i32
      %mul3A_76 = arith.constant 80 : i32
      %mul3A_77 = arith.muli %add3A_75, %mul3A_76 : i32
      %dma_start3A_78 = tpu.memref_slice %arg12[%mul3A_77] : memref<10000xi32, #tpu.memory_space<vmem>> -> memref<80xi32, #tpu.memory_space<vmem>>
      %dma_start3A_79 = arith.constant 0 : i32
      %dma_start3A_80 = arith.constant 0 : i32
      %dma_start3A_81 = tpu.memref_slice %arg2[%dma_start3A_79, %dma_start3A_80] : memref<10000x128xf32, #tpu.memory_space<hbm>> -> memref<10000x128xf32, #tpu.memory_space<hbm>>
      tpu.enqueue_indirect_dma source(%dma_start3A_81 : memref<10000x128xf32, #tpu.memory_space<hbm>>) target(%arg14 : memref<80x128xf32, #tpu.memory_space<vmem>>) offsets(%dma_start3A_78 : memref<80xi32, #tpu.memory_space<vmem>>) semaphore(%arg18 : memref<!tpu.dma_semaphore, #tpu.memory_space<semaphore_mem>>)
      %add3A_82 = arith.constant 1 : i32
      %add3A_83 = arith.addi %add3A_55, %add3A_82 : i32
      %mul3A_84 = arith.constant 80 : i32
      %mul3A_85 = arith.muli %add3A_83, %mul3A_84 : i32
      %dma_wait3A_86 = tpu.memref_slice %arg12[%mul3A_85] : memref<10000xi32, #tpu.memory_space<vmem>> -> memref<80xi32, #tpu.memory_space<vmem>>
      %dma_wait3A_87 = arith.constant 0 : i32
      %dma_wait3A_88 = arith.constant 0 : i32
      %dma_wait3A_89 = tpu.memref_slice %arg2[%dma_wait3A_87, %dma_wait3A_88] : memref<10000x128xf32, #tpu.memory_space<hbm>> -> memref<10000x128xf32, #tpu.memory_space<hbm>>
      tpu.wait_indirect_dma semaphore(%arg19 : memref<!tpu.dma_semaphore, #tpu.memory_space<semaphore_mem>>) src(%dma_wait3A_89 : memref<10000x128xf32, #tpu.memory_space<hbm>>) dst(%arg15 : memref<80x128xf32, #tpu.memory_space<vmem>>)
      %mul3A_90 = arith.constant 80 : i32
      %mul3A_91 = arith.muli %add3A_83, %mul3A_90 : i32
      "tpu.region"() ({
        %run_scoped3A = tpu.sem_alloc : memref<!tpu.dma_semaphore, #tpu.memory_space<semaphore_mem>>
        %dma_start3A_94 = tpu.memref_slice %arg13[%mul3A_91] : memref<10000xi32, #tpu.memory_space<vmem>> -> memref<80xi32, #tpu.memory_space<vmem>>
        %dma_start3A_95 = arith.constant 0 : i32
        %dma_start3A_96 = arith.constant 0 : i32
        %dma_start3A_97 = tpu.memref_slice %arg10[%dma_start3A_95, %dma_start3A_96] : memref<10000x128xf32, #tpu.memory_space<vmem_shared>> -> memref<10000x128xf32, #tpu.memory_space<vmem_shared>>
        tpu.enqueue_indirect_dma source(%arg15 : memref<80x128xf32, #tpu.memory_space<vmem>>) target(%dma_start3A_97 : memref<10000x128xf32, #tpu.memory_space<vmem_shared>>) offsets(%dma_start3A_94 : memref<80xi32, #tpu.memory_space<vmem>>) semaphore(%run_scoped3A : memref<!tpu.dma_semaphore, #tpu.memory_space<semaphore_mem>>) {add = true}
        %dma_wait3A_98 = tpu.memref_slice %arg13[%mul3A_91] : memref<10000xi32, #tpu.memory_space<vmem>> -> memref<80xi32, #tpu.memory_space<vmem>>
        %dma_wait3A_99 = arith.constant 0 : i32
        %dma_wait3A_100 = arith.constant 0 : i32
        %dma_wait3A_101 = tpu.memref_slice %arg10[%dma_wait3A_99, %dma_wait3A_100] : memref<10000x128xf32, #tpu.memory_space<vmem_shared>> -> memref<10000x128xf32, #tpu.memory_space<vmem_shared>>
        tpu.wait_indirect_dma semaphore(%run_scoped3A : memref<!tpu.dma_semaphore, #tpu.memory_space<semaphore_mem>>) src(%arg15 : memref<80x128xf32, #tpu.memory_space<vmem>>) dst(%dma_wait3A_101 : memref<10000x128xf32, #tpu.memory_space<vmem_shared>>)
        tpu.yield
      }) : () -> ()
      %mul3A_92 = arith.constant 80 : i32
      %mul3A_93 = arith.muli %add3A_83, %mul3A_92 : i32
      "tpu.region"() ({
        %run_scoped3A = tpu.sem_alloc : memref<!tpu.dma_semaphore, #tpu.memory_space<semaphore_mem>>
        %dma_start3A_94 = tpu.memref_slice %arg13[%mul3A_93] : memref<10000xi32, #tpu.memory_space<vmem>> -> memref<80xi32, #tpu.memory_space<vmem>>
        %dma_start3A_95 = arith.constant 0 : i32
        %dma_start3A_96 = tpu.memref_slice %arg11[%dma_start3A_95] : memref<10000xf32, #tpu.memory_space<vmem_shared>> -> memref<10000xf32, #tpu.memory_space<vmem_shared>>
        tpu.enqueue_indirect_dma source(%arg16 : memref<80xf32, #tpu.memory_space<vmem>>) target(%dma_start3A_96 : memref<10000xf32, #tpu.memory_space<vmem_shared>>) offsets(%dma_start3A_94 : memref<80xi32, #tpu.memory_space<vmem>>) semaphore(%run_scoped3A : memref<!tpu.dma_semaphore, #tpu.memory_space<semaphore_mem>>) {add = true}
        %dma_wait3A_97 = tpu.memref_slice %arg13[%mul3A_93] : memref<10000xi32, #tpu.memory_space<vmem>> -> memref<80xi32, #tpu.memory_space<vmem>>
        %dma_wait3A_98 = arith.constant 0 : i32
        %dma_wait3A_99 = tpu.memref_slice %arg11[%dma_wait3A_98] : memref<10000xf32, #tpu.memory_space<vmem_shared>> -> memref<10000xf32, #tpu.memory_space<vmem_shared>>
        tpu.wait_indirect_dma semaphore(%run_scoped3A : memref<!tpu.dma_semaphore, #tpu.memory_space<semaphore_mem>>) src(%arg16 : memref<80xf32, #tpu.memory_space<vmem>>) dst(%dma_wait3A_99 : memref<10000xf32, #tpu.memory_space<vmem_shared>>)
        tpu.yield
      }) : () -> ()
    }
    %scan3A_27 = arith.constant 62 : i32
    %dma_wait3A = arith.constant 9920 : i32
    %dma_wait3A_28 = tpu.memref_slice %arg12[%dma_wait3A] : memref<10000xi32, #tpu.memory_space<vmem>> -> memref<80xi32, #tpu.memory_space<vmem>>
    %dma_wait3A_29 = arith.constant 0 : i32
    %dma_wait3A_30 = arith.constant 0 : i32
    %dma_wait3A_31 = tpu.memref_slice %arg2[%dma_wait3A_29, %dma_wait3A_30] : memref<10000x128xf32, #tpu.memory_space<hbm>> -> memref<10000x128xf32, #tpu.memory_space<hbm>>
    tpu.wait_indirect_dma semaphore(%arg18 : memref<!tpu.dma_semaphore, #tpu.memory_space<semaphore_mem>>) src(%dma_wait3A_31 : memref<10000x128xf32, #tpu.memory_space<hbm>>) dst(%arg14 : memref<80x128xf32, #tpu.memory_space<vmem>>)
    "tpu.region"() ({
      %run_scoped3A = tpu.sem_alloc : memref<!tpu.dma_semaphore, #tpu.memory_space<semaphore_mem>>
      %dma_start3A_51 = arith.constant 9920 : i32
      %dma_start3A_52 = tpu.memref_slice %arg13[%dma_start3A_51] : memref<10000xi32, #tpu.memory_space<vmem>> -> memref<80xi32, #tpu.memory_space<vmem>>
      %dma_start3A_53 = arith.constant 0 : i32
      %dma_start3A_54 = arith.constant 0 : i32
      %dma_start3A_55 = tpu.memref_slice %arg10[%dma_start3A_53, %dma_start3A_54] : memref<10000x128xf32, #tpu.memory_space<vmem_shared>> -> memref<10000x128xf32, #tpu.memory_space<vmem_shared>>
      tpu.enqueue_indirect_dma source(%arg14 : memref<80x128xf32, #tpu.memory_space<vmem>>) target(%dma_start3A_55 : memref<10000x128xf32, #tpu.memory_space<vmem_shared>>) offsets(%dma_start3A_52 : memref<80xi32, #tpu.memory_space<vmem>>) semaphore(%run_scoped3A : memref<!tpu.dma_semaphore, #tpu.memory_space<semaphore_mem>>) {add = true}
      %dma_wait3A_56 = arith.constant 9920 : i32
      %dma_wait3A_57 = tpu.memref_slice %arg13[%dma_wait3A_56] : memref<10000xi32, #tpu.memory_space<vmem>> -> memref<80xi32, #tpu.memory_space<vmem>>
      %dma_wait3A_58 = arith.constant 0 : i32
      %dma_wait3A_59 = arith.constant 0 : i32
      %dma_wait3A_60 = tpu.memref_slice %arg10[%dma_wait3A_58, %dma_wait3A_59] : memref<10000x128xf32, #tpu.memory_space<vmem_shared>> -> memref<10000x128xf32, #tpu.memory_space<vmem_shared>>
      tpu.wait_indirect_dma semaphore(%run_scoped3A : memref<!tpu.dma_semaphore, #tpu.memory_space<semaphore_mem>>) src(%arg14 : memref<80x128xf32, #tpu.memory_space<vmem>>) dst(%dma_wait3A_60 : memref<10000x128xf32, #tpu.memory_space<vmem_shared>>)
      tpu.yield
    }) : () -> ()
    "tpu.region"() ({
      %run_scoped3A = tpu.sem_alloc : memref<!tpu.dma_semaphore, #tpu.memory_space<semaphore_mem>>
      %dma_start3A_51 = arith.constant 9920 : i32
      %dma_start3A_52 = tpu.memref_slice %arg13[%dma_start3A_51] : memref<10000xi32, #tpu.memory_space<vmem>> -> memref<80xi32, #tpu.memory_space<vmem>>
      %dma_start3A_53 = arith.constant 0 : i32
      %dma_start3A_54 = tpu.memref_slice %arg11[%dma_start3A_53] : memref<10000xf32, #tpu.memory_space<vmem_shared>> -> memref<10000xf32, #tpu.memory_space<vmem_shared>>
      tpu.enqueue_indirect_dma source(%arg16 : memref<80xf32, #tpu.memory_space<vmem>>) target(%dma_start3A_54 : memref<10000xf32, #tpu.memory_space<vmem_shared>>) offsets(%dma_start3A_52 : memref<80xi32, #tpu.memory_space<vmem>>) semaphore(%run_scoped3A : memref<!tpu.dma_semaphore, #tpu.memory_space<semaphore_mem>>) {add = true}
      %dma_wait3A_55 = arith.constant 9920 : i32
      %dma_wait3A_56 = tpu.memref_slice %arg13[%dma_wait3A_55] : memref<10000xi32, #tpu.memory_space<vmem>> -> memref<80xi32, #tpu.memory_space<vmem>>
      %dma_wait3A_57 = arith.constant 0 : i32
      %dma_wait3A_58 = tpu.memref_slice %arg11[%dma_wait3A_57] : memref<10000xf32, #tpu.memory_space<vmem_shared>> -> memref<10000xf32, #tpu.memory_space<vmem_shared>>
      tpu.wait_indirect_dma semaphore(%run_scoped3A : memref<!tpu.dma_semaphore, #tpu.memory_space<semaphore_mem>>) src(%arg16 : memref<80xf32, #tpu.memory_space<vmem>>) dst(%dma_wait3A_58 : memref<10000xf32, #tpu.memory_space<vmem_shared>>)
      tpu.yield
    }) : () -> ()
    %barrier3A_32 = arith.constant 0 : index
    tpu.barrier barrier_id(%barrier3A_32)
    %sub3A_33 = arith.constant 125 : i32
    %sub3A_34 = arith.subi %sub3A_33, %arg1 : i32
    %sub3A_35 = arith.constant 16 : i32
    %sub3A_36 = arith.constant 1 : i32
    %sub3A_37 = arith.subi %sub3A_35, %sub3A_36 : i32
    %add3A_38 = arith.addi %sub3A_34, %sub3A_37 : i32
    %div3A_39 = arith.constant 16 : i32
    %div3A_40 = arith.divsi %add3A_38, %div3A_39 : i32
    %while3A_41 = arith.constant 16 : i32
    %while3A_42 = arith.constant 0 : i32
    %while3A_43 = arith.subi %div3A_40, %while3A_42 : i32
    %while3A_44 = arith.addi %while3A_42, %while3A_43 : i32
    %while3A_45 = arith.constant 1 : i32
    %while3A_46 = arith.divsi %while3A_43, %while3A_45 : i32
    %while3A_47 = arith.muli %while3A_46, %while3A_45 : i32
    %while3A_48 = arith.addi %while3A_42, %while3A_47 : i32
    %while3A_49 = arith.constant 1 : i32
    scf.for %while3A_51 = %while3A_42 to %while3A_48 step %while3A_49  : i32 {
      %mul3A_52 = arith.muli %while3A_51, %while3A_41 : i32
      %add3A_53 = arith.addi %arg1, %mul3A_52 : i32
      %mul3A_54 = arith.constant 80 : i32
      %mul3A_55 = arith.muli %add3A_53, %mul3A_54 : i32
      %mul3A_56 = arith.constant 10000 : i32
      %mul3A_57 = arith.muli %arg0, %mul3A_56 : i32
      %mul3A_58 = arith.constant 80 : i32
      %mul3A_59 = arith.muli %add3A_53, %mul3A_58 : i32
      %add3A_60 = arith.addi %mul3A_57, %mul3A_59 : i32
      "tpu.region"() ({
        %run_scoped3A = tpu.sem_alloc : memref<!tpu.dma_semaphore, #tpu.memory_space<semaphore_mem>>
        %dma_start3A_68 = arith.constant 0 : i32
        %dma_start3A_69 = tpu.memref_slice %arg8[%add3A_60, %dma_start3A_68] : memref<20000x128xf32, #tpu.memory_space<hbm>> -> memref<80x128xf32, #tpu.memory_space<hbm>>
        %dma_start3A_70 = arith.constant 0 : i32
        %dma_start3A_71 = tpu.memref_slice %arg10[%mul3A_55, %dma_start3A_70] : memref<10000x128xf32, #tpu.memory_space<vmem_shared>> -> memref<80x128xf32, #tpu.memory_space<vmem_shared>>
        tpu.enqueue_dma source(%dma_start3A_71 : memref<80x128xf32, #tpu.memory_space<vmem_shared>>) target(%dma_start3A_69 : memref<80x128xf32, #tpu.memory_space<hbm>>) target_semaphore(%run_scoped3A : memref<!tpu.dma_semaphore, #tpu.memory_space<semaphore_mem>>)
        %dma_wait3A_72 = arith.constant 0 : i32
        %dma_wait3A_73 = tpu.memref_slice %arg8[%add3A_60, %dma_wait3A_72] : memref<20000x128xf32, #tpu.memory_space<hbm>> -> memref<80x128xf32, #tpu.memory_space<hbm>>
        %dma_wait3A_74 = arith.constant 0 : i32
        %dma_wait3A_75 = tpu.memref_slice %arg10[%mul3A_55, %dma_wait3A_74] : memref<10000x128xf32, #tpu.memory_space<vmem_shared>> -> memref<80x128xf32, #tpu.memory_space<vmem_shared>>
        tpu.wait_dma2 semaphore(%run_scoped3A : memref<!tpu.dma_semaphore, #tpu.memory_space<semaphore_mem>>) src(%dma_wait3A_75 : memref<80x128xf32, #tpu.memory_space<vmem_shared>>) dst(%dma_wait3A_73 : memref<80x128xf32, #tpu.memory_space<hbm>>)
        tpu.yield
      }) : () -> ()
      %mul3A_61 = arith.constant 80 : i32
      %mul3A_62 = arith.muli %add3A_53, %mul3A_61 : i32
      %mul3A_63 = arith.constant 10000 : i32
      %mul3A_64 = arith.muli %arg0, %mul3A_63 : i32
      %mul3A_65 = arith.constant 80 : i32
      %mul3A_66 = arith.muli %add3A_53, %mul3A_65 : i32
      %add3A_67 = arith.addi %mul3A_64, %mul3A_66 : i32
      "tpu.region"() ({
        %run_scoped3A = tpu.sem_alloc : memref<!tpu.dma_semaphore, #tpu.memory_space<semaphore_mem>>
        %dma_start3A_68 = tpu.memref_slice %arg9[%add3A_67] : memref<20000xf32, #tpu.memory_space<hbm>> -> memref<80xf32, #tpu.memory_space<hbm>>
        %dma_start3A_69 = tpu.memref_slice %arg11[%mul3A_62] : memref<10000xf32, #tpu.memory_space<vmem_shared>> -> memref<80xf32, #tpu.memory_space<vmem_shared>>
        tpu.enqueue_dma source(%dma_start3A_69 : memref<80xf32, #tpu.memory_space<vmem_shared>>) target(%dma_start3A_68 : memref<80xf32, #tpu.memory_space<hbm>>) target_semaphore(%run_scoped3A : memref<!tpu.dma_semaphore, #tpu.memory_space<semaphore_mem>>)
        %dma_wait3A_70 = tpu.memref_slice %arg9[%add3A_67] : memref<20000xf32, #tpu.memory_space<hbm>> -> memref<80xf32, #tpu.memory_space<hbm>>
        %dma_wait3A_71 = tpu.memref_slice %arg11[%mul3A_62] : memref<10000xf32, #tpu.memory_space<vmem_shared>> -> memref<80xf32, #tpu.memory_space<vmem_shared>>
        tpu.wait_dma2 semaphore(%run_scoped3A : memref<!tpu.dma_semaphore, #tpu.memory_space<semaphore_mem>>) src(%dma_wait3A_71 : memref<80xf32, #tpu.memory_space<vmem_shared>>) dst(%dma_wait3A_70 : memref<80xf32, #tpu.memory_space<hbm>>)
        tpu.yield
      }) : () -> ()
    }
    %while3A_50 = arith.constant 1 : i32
    scf.for %while3A_51 = %while3A_48 to %while3A_44 step %while3A_50  : i32 {
      %mul3A_52 = arith.muli %while3A_51, %while3A_41 : i32
      %add3A_53 = arith.addi %arg1, %mul3A_52 : i32
      %mul3A_54 = arith.constant 80 : i32
      %mul3A_55 = arith.muli %add3A_53, %mul3A_54 : i32
      %mul3A_56 = arith.constant 10000 : i32
      %mul3A_57 = arith.muli %arg0, %mul3A_56 : i32
      %mul3A_58 = arith.constant 80 : i32
      %mul3A_59 = arith.muli %add3A_53, %mul3A_58 : i32
      %add3A_60 = arith.addi %mul3A_57, %mul3A_59 : i32
      "tpu.region"() ({
        %run_scoped3A = tpu.sem_alloc : memref<!tpu.dma_semaphore, #tpu.memory_space<semaphore_mem>>
        %dma_start3A_68 = arith.constant 0 : i32
        %dma_start3A_69 = tpu.memref_slice %arg8[%add3A_60, %dma_start3A_68] : memref<20000x128xf32, #tpu.memory_space<hbm>> -> memref<80x128xf32, #tpu.memory_space<hbm>>
        %dma_start3A_70 = arith.constant 0 : i32
        %dma_start3A_71 = tpu.memref_slice %arg10[%mul3A_55, %dma_start3A_70] : memref<10000x128xf32, #tpu.memory_space<vmem_shared>> -> memref<80x128xf32, #tpu.memory_space<vmem_shared>>
        tpu.enqueue_dma source(%dma_start3A_71 : memref<80x128xf32, #tpu.memory_space<vmem_shared>>) target(%dma_start3A_69 : memref<80x128xf32, #tpu.memory_space<hbm>>) target_semaphore(%run_scoped3A : memref<!tpu.dma_semaphore, #tpu.memory_space<semaphore_mem>>)
        %dma_wait3A_72 = arith.constant 0 : i32
        %dma_wait3A_73 = tpu.memref_slice %arg8[%add3A_60, %dma_wait3A_72] : memref<20000x128xf32, #tpu.memory_space<hbm>> -> memref<80x128xf32, #tpu.memory_space<hbm>>
        %dma_wait3A_74 = arith.constant 0 : i32
        %dma_wait3A_75 = tpu.memref_slice %arg10[%mul3A_55, %dma_wait3A_74] : memref<10000x128xf32, #tpu.memory_space<vmem_shared>> -> memref<80x128xf32, #tpu.memory_space<vmem_shared>>
        tpu.wait_dma2 semaphore(%run_scoped3A : memref<!tpu.dma_semaphore, #tpu.memory_space<semaphore_mem>>) src(%dma_wait3A_75 : memref<80x128xf32, #tpu.memory_space<vmem_shared>>) dst(%dma_wait3A_73 : memref<80x128xf32, #tpu.memory_space<hbm>>)
        tpu.yield
      }) : () -> ()
      %mul3A_61 = arith.constant 80 : i32
      %mul3A_62 = arith.muli %add3A_53, %mul3A_61 : i32
      %mul3A_63 = arith.constant 10000 : i32
      %mul3A_64 = arith.muli %arg0, %mul3A_63 : i32
      %mul3A_65 = arith.constant 80 : i32
      %mul3A_66 = arith.muli %add3A_53, %mul3A_65 : i32
      %add3A_67 = arith.addi %mul3A_64, %mul3A_66 : i32
      "tpu.region"() ({
        %run_scoped3A = tpu.sem_alloc : memref<!tpu.dma_semaphore, #tpu.memory_space<semaphore_mem>>
        %dma_start3A_68 = tpu.memref_slice %arg9[%add3A_67] : memref<20000xf32, #tpu.memory_space<hbm>> -> memref<80xf32, #tpu.memory_space<hbm>>
        %dma_start3A_69 = tpu.memref_slice %arg11[%mul3A_62] : memref<10000xf32, #tpu.memory_space<vmem_shared>> -> memref<80xf32, #tpu.memory_space<vmem_shared>>
        tpu.enqueue_dma source(%dma_start3A_69 : memref<80xf32, #tpu.memory_space<vmem_shared>>) target(%dma_start3A_68 : memref<80xf32, #tpu.memory_space<hbm>>) target_semaphore(%run_scoped3A : memref<!tpu.dma_semaphore, #tpu.memory_space<semaphore_mem>>)
        %dma_wait3A_70 = tpu.memref_slice %arg9[%add3A_67] : memref<20000xf32, #tpu.memory_space<hbm>> -> memref<80xf32, #tpu.memory_space<hbm>>
        %dma_wait3A_71 = tpu.memref_slice %arg11[%mul3A_62] : memref<10000xf32, #tpu.memory_space<vmem_shared>> -> memref<80xf32, #tpu.memory_space<vmem_shared>>
        tpu.wait_dma2 semaphore(%run_scoped3A : memref<!tpu.dma_semaphore, #tpu.memory_space<semaphore_mem>>) src(%dma_wait3A_71 : memref<80xf32, #tpu.memory_space<vmem_shared>>) dst(%dma_wait3A_70 : memref<80xf32, #tpu.memory_space<hbm>>)
        tpu.yield
      }) : () -> ()
    }
    return
  }
}

#map = affine_map<(d0, d1) -> (0, 0)>
#map1 = affine_map<(d0, d1) -> (0)>
module attributes {stable_mosaic.version = 14 : i64} {
  func.func @_segsum_body(%arg0: i32, %arg1: i32, %arg2: memref<10000x128xf32, #tpu.memory_space<hbm>>, %arg3: memref<320000xi32, #tpu.memory_space<hbm>>, %arg4: memref<320000xi32, #tpu.memory_space<hbm>>, %arg5: memref<80x128xf32, #tpu.memory_space<hbm>>, %arg6: memref<20000x128xf32, #tpu.memory_space<hbm>>, %arg7: memref<10000x128xf32, #tpu.memory_space<vmem_shared>>, %arg8: memref<10000xi32, #tpu.memory_space<vmem>>, %arg9: memref<10000xi32, #tpu.memory_space<vmem>>, %arg10: memref<80x128xf32, #tpu.memory_space<vmem>>, %arg11: memref<80x128xf32, #tpu.memory_space<vmem>>, %arg12: memref<!tpu.dma_semaphore, #tpu.memory_space<semaphore_mem>>, %arg13: memref<!tpu.dma_semaphore, #tpu.memory_space<semaphore_mem>>) attributes {dimension_semantics = [#tpu.dimension_semantics<core_parallel>, #tpu.dimension_semantics<subcore_parallel>], iteration_bounds = array<i64: 2, 16>, scalar_prefetch = 0 : i64, scratch_operands = 7 : i64, tpu.core_type = #tpu.core_type<sc_vector_subcore>, window_params = [{transform_indices = #map}, {transform_indices = #map1}, {transform_indices = #map1}, {transform_indices = #map}, {transform_indices = #map}]} {
    %mul3A = arith.constant 16 : i32
    %mul3A_0 = arith.muli %arg0, %mul3A : i32
    %add3A = arith.addi %mul3A_0, %arg1 : i32
    %mul3A_1 = arith.constant 10000 : i32
    %mul3A_2 = arith.muli %add3A, %mul3A_1 : i32
    "tpu.region"() ({
      %run_scoped3A = tpu.sem_alloc : memref<!tpu.dma_semaphore, #tpu.memory_space<semaphore_mem>>
      %dma_start3A_51 = tpu.memref_slice %arg3[%mul3A_2] : memref<320000xi32, #tpu.memory_space<hbm>> -> memref<10000xi32, #tpu.memory_space<hbm>>
      %dma_start3A_52 = tpu.memref_slice %arg3[%mul3A_2] : memref<320000xi32, #tpu.memory_space<hbm>> -> memref<10000xi32, #tpu.memory_space<hbm>>
      tpu.enqueue_dma source(%dma_start3A_52 : memref<10000xi32, #tpu.memory_space<hbm>>) target(%arg8 : memref<10000xi32, #tpu.memory_space<vmem>>) target_semaphore(%run_scoped3A : memref<!tpu.dma_semaphore, #tpu.memory_space<semaphore_mem>>)
      %dma_wait3A_53 = tpu.memref_slice %arg3[%mul3A_2] : memref<320000xi32, #tpu.memory_space<hbm>> -> memref<10000xi32, #tpu.memory_space<hbm>>
      %dma_wait3A_54 = tpu.memref_slice %arg3[%mul3A_2] : memref<320000xi32, #tpu.memory_space<hbm>> -> memref<10000xi32, #tpu.memory_space<hbm>>
      tpu.wait_dma2 semaphore(%run_scoped3A : memref<!tpu.dma_semaphore, #tpu.memory_space<semaphore_mem>>) src(%dma_wait3A_54 : memref<10000xi32, #tpu.memory_space<hbm>>) dst(%arg8 : memref<10000xi32, #tpu.memory_space<vmem>>)
      tpu.yield
    }) : () -> ()
    %mul3A_3 = arith.constant 10000 : i32
    %mul3A_4 = arith.muli %add3A, %mul3A_3 : i32
    "tpu.region"() ({
      %run_scoped3A = tpu.sem_alloc : memref<!tpu.dma_semaphore, #tpu.memory_space<semaphore_mem>>
      %dma_start3A_51 = tpu.memref_slice %arg4[%mul3A_4] : memref<320000xi32, #tpu.memory_space<hbm>> -> memref<10000xi32, #tpu.memory_space<hbm>>
      %dma_start3A_52 = tpu.memref_slice %arg4[%mul3A_4] : memref<320000xi32, #tpu.memory_space<hbm>> -> memref<10000xi32, #tpu.memory_space<hbm>>
      tpu.enqueue_dma source(%dma_start3A_52 : memref<10000xi32, #tpu.memory_space<hbm>>) target(%arg9 : memref<10000xi32, #tpu.memory_space<vmem>>) target_semaphore(%run_scoped3A : memref<!tpu.dma_semaphore, #tpu.memory_space<semaphore_mem>>)
      %dma_wait3A_53 = tpu.memref_slice %arg4[%mul3A_4] : memref<320000xi32, #tpu.memory_space<hbm>> -> memref<10000xi32, #tpu.memory_space<hbm>>
      %dma_wait3A_54 = tpu.memref_slice %arg4[%mul3A_4] : memref<320000xi32, #tpu.memory_space<hbm>> -> memref<10000xi32, #tpu.memory_space<hbm>>
      tpu.wait_dma2 semaphore(%run_scoped3A : memref<!tpu.dma_semaphore, #tpu.memory_space<semaphore_mem>>) src(%dma_wait3A_54 : memref<10000xi32, #tpu.memory_space<hbm>>) dst(%arg9 : memref<10000xi32, #tpu.memory_space<vmem>>)
      tpu.yield
    }) : () -> ()
    "tpu.region"() ({
      %run_scoped3A = tpu.sem_alloc : memref<!tpu.dma_semaphore, #tpu.memory_space<semaphore_mem>>
      tpu.enqueue_dma source(%arg5 : memref<80x128xf32, #tpu.memory_space<hbm>>) target(%arg10 : memref<80x128xf32, #tpu.memory_space<vmem>>) target_semaphore(%run_scoped3A : memref<!tpu.dma_semaphore, #tpu.memory_space<semaphore_mem>>)
      tpu.wait_dma2 semaphore(%run_scoped3A : memref<!tpu.dma_semaphore, #tpu.memory_space<semaphore_mem>>) src(%arg5 : memref<80x128xf32, #tpu.memory_space<hbm>>) dst(%arg10 : memref<80x128xf32, #tpu.memory_space<vmem>>)
      tpu.yield
    }) : () -> ()
    %sub3A = arith.constant 125 : i32
    %sub3A_5 = arith.subi %sub3A, %arg1 : i32
    %sub3A_6 = arith.constant 16 : i32
    %sub3A_7 = arith.constant 1 : i32
    %sub3A_8 = arith.subi %sub3A_6, %sub3A_7 : i32
    %add3A_9 = arith.addi %sub3A_5, %sub3A_8 : i32
    %div3A = arith.constant 16 : i32
    %div3A_10 = arith.divsi %add3A_9, %div3A : i32
    %while3A = arith.constant 16 : i32
    %while3A_11 = arith.constant 0 : i32
    %while3A_12 = arith.subi %div3A_10, %while3A_11 : i32
    %while3A_13 = arith.addi %while3A_11, %while3A_12 : i32
    %while3A_14 = arith.constant 1 : i32
    %while3A_15 = arith.divsi %while3A_12, %while3A_14 : i32
    %while3A_16 = arith.muli %while3A_15, %while3A_14 : i32
    %while3A_17 = arith.addi %while3A_11, %while3A_16 : i32
    %while3A_18 = arith.constant 1 : i32
    scf.for %while3A_51 = %while3A_11 to %while3A_17 step %while3A_18  : i32 {
      %mul3A_52 = arith.muli %while3A_51, %while3A : i32
      %add3A_53 = arith.addi %arg1, %mul3A_52 : i32
      %mul3A_54 = arith.constant 80 : i32
      %mul3A_55 = arith.muli %add3A_53, %mul3A_54 : i32
      "tpu.region"() ({
        %run_scoped3A = tpu.sem_alloc : memref<!tpu.dma_semaphore, #tpu.memory_space<semaphore_mem>>
        %dma_start3A_56 = arith.constant 0 : i32
        %dma_start3A_57 = tpu.memref_slice %arg7[%mul3A_55, %dma_start3A_56] : memref<10000x128xf32, #tpu.memory_space<vmem_shared>> -> memref<80x128xf32, #tpu.memory_space<vmem_shared>>
        %dma_start3A_58 = arith.constant 0 : i32
        %dma_start3A_59 = tpu.memref_slice %arg7[%mul3A_55, %dma_start3A_58] : memref<10000x128xf32, #tpu.memory_space<vmem_shared>> -> memref<80x128xf32, #tpu.memory_space<vmem_shared>>
        tpu.enqueue_dma source(%arg10 : memref<80x128xf32, #tpu.memory_space<vmem>>) target(%dma_start3A_59 : memref<80x128xf32, #tpu.memory_space<vmem_shared>>) target_semaphore(%run_scoped3A : memref<!tpu.dma_semaphore, #tpu.memory_space<semaphore_mem>>)
        %dma_wait3A_60 = arith.constant 0 : i32
        %dma_wait3A_61 = tpu.memref_slice %arg7[%mul3A_55, %dma_wait3A_60] : memref<10000x128xf32, #tpu.memory_space<vmem_shared>> -> memref<80x128xf32, #tpu.memory_space<vmem_shared>>
        %dma_wait3A_62 = arith.constant 0 : i32
        %dma_wait3A_63 = tpu.memref_slice %arg7[%mul3A_55, %dma_wait3A_62] : memref<10000x128xf32, #tpu.memory_space<vmem_shared>> -> memref<80x128xf32, #tpu.memory_space<vmem_shared>>
        tpu.wait_dma2 semaphore(%run_scoped3A : memref<!tpu.dma_semaphore, #tpu.memory_space<semaphore_mem>>) src(%arg10 : memref<80x128xf32, #tpu.memory_space<vmem>>) dst(%dma_wait3A_63 : memref<80x128xf32, #tpu.memory_space<vmem_shared>>)
        tpu.yield
      }) : () -> ()
    }
    %while3A_19 = arith.constant 1 : i32
    scf.for %while3A_51 = %while3A_17 to %while3A_13 step %while3A_19  : i32 {
      %mul3A_52 = arith.muli %while3A_51, %while3A : i32
      %add3A_53 = arith.addi %arg1, %mul3A_52 : i32
      %mul3A_54 = arith.constant 80 : i32
      %mul3A_55 = arith.muli %add3A_53, %mul3A_54 : i32
      "tpu.region"() ({
        %run_scoped3A = tpu.sem_alloc : memref<!tpu.dma_semaphore, #tpu.memory_space<semaphore_mem>>
        %dma_start3A_56 = arith.constant 0 : i32
        %dma_start3A_57 = tpu.memref_slice %arg7[%mul3A_55, %dma_start3A_56] : memref<10000x128xf32, #tpu.memory_space<vmem_shared>> -> memref<80x128xf32, #tpu.memory_space<vmem_shared>>
        %dma_start3A_58 = arith.constant 0 : i32
        %dma_start3A_59 = tpu.memref_slice %arg7[%mul3A_55, %dma_start3A_58] : memref<10000x128xf32, #tpu.memory_space<vmem_shared>> -> memref<80x128xf32, #tpu.memory_space<vmem_shared>>
        tpu.enqueue_dma source(%arg10 : memref<80x128xf32, #tpu.memory_space<vmem>>) target(%dma_start3A_59 : memref<80x128xf32, #tpu.memory_space<vmem_shared>>) target_semaphore(%run_scoped3A : memref<!tpu.dma_semaphore, #tpu.memory_space<semaphore_mem>>)
        %dma_wait3A_60 = arith.constant 0 : i32
        %dma_wait3A_61 = tpu.memref_slice %arg7[%mul3A_55, %dma_wait3A_60] : memref<10000x128xf32, #tpu.memory_space<vmem_shared>> -> memref<80x128xf32, #tpu.memory_space<vmem_shared>>
        %dma_wait3A_62 = arith.constant 0 : i32
        %dma_wait3A_63 = tpu.memref_slice %arg7[%mul3A_55, %dma_wait3A_62] : memref<10000x128xf32, #tpu.memory_space<vmem_shared>> -> memref<80x128xf32, #tpu.memory_space<vmem_shared>>
        tpu.wait_dma2 semaphore(%run_scoped3A : memref<!tpu.dma_semaphore, #tpu.memory_space<semaphore_mem>>) src(%arg10 : memref<80x128xf32, #tpu.memory_space<vmem>>) dst(%dma_wait3A_63 : memref<80x128xf32, #tpu.memory_space<vmem_shared>>)
        tpu.yield
      }) : () -> ()
    }
    %barrier3A = arith.constant 0 : index
    tpu.barrier barrier_id(%barrier3A)
    %dma_start3A = arith.constant 0 : i32
    %dma_start3A_20 = tpu.memref_slice %arg8[%dma_start3A] : memref<10000xi32, #tpu.memory_space<vmem>> -> memref<80xi32, #tpu.memory_space<vmem>>
    %dma_start3A_21 = arith.constant 0 : i32
    %dma_start3A_22 = arith.constant 0 : i32
    %dma_start3A_23 = tpu.memref_slice %arg2[%dma_start3A_21, %dma_start3A_22] : memref<10000x128xf32, #tpu.memory_space<hbm>> -> memref<10000x128xf32, #tpu.memory_space<hbm>>
    tpu.enqueue_indirect_dma source(%dma_start3A_23 : memref<10000x128xf32, #tpu.memory_space<hbm>>) target(%arg10 : memref<80x128xf32, #tpu.memory_space<vmem>>) offsets(%dma_start3A_20 : memref<80xi32, #tpu.memory_space<vmem>>) semaphore(%arg12 : memref<!tpu.dma_semaphore, #tpu.memory_space<semaphore_mem>>)
    %scan3A = arith.constant 0 : i32
    %scan3A_24 = arith.constant 62 : i32
    %scan3A_25 = arith.addi %scan3A, %scan3A_24 : i32
    %scan3A_26 = arith.constant 1 : i32
    scf.for %scan3A_51 = %scan3A to %scan3A_25 step %scan3A_26  : i32 {
      %mul3A_52 = arith.constant 2 : i32
      %mul3A_53 = arith.muli %scan3A_51, %mul3A_52 : i32
      %add3A_54 = arith.constant 0 : i32
      %add3A_55 = arith.addi %add3A_54, %mul3A_53 : i32
      %add3A_56 = arith.constant 1 : i32
      %add3A_57 = arith.addi %add3A_55, %add3A_56 : i32
      %mul3A_58 = arith.constant 80 : i32
      %mul3A_59 = arith.muli %add3A_57, %mul3A_58 : i32
      %dma_start3A_60 = tpu.memref_slice %arg8[%mul3A_59] : memref<10000xi32, #tpu.memory_space<vmem>> -> memref<80xi32, #tpu.memory_space<vmem>>
      %dma_start3A_61 = arith.constant 0 : i32
      %dma_start3A_62 = arith.constant 0 : i32
      %dma_start3A_63 = tpu.memref_slice %arg2[%dma_start3A_61, %dma_start3A_62] : memref<10000x128xf32, #tpu.memory_space<hbm>> -> memref<10000x128xf32, #tpu.memory_space<hbm>>
      tpu.enqueue_indirect_dma source(%dma_start3A_63 : memref<10000x128xf32, #tpu.memory_space<hbm>>) target(%arg11 : memref<80x128xf32, #tpu.memory_space<vmem>>) offsets(%dma_start3A_60 : memref<80xi32, #tpu.memory_space<vmem>>) semaphore(%arg13 : memref<!tpu.dma_semaphore, #tpu.memory_space<semaphore_mem>>)
      %mul3A_64 = arith.constant 80 : i32
      %mul3A_65 = arith.muli %add3A_55, %mul3A_64 : i32
      %dma_wait3A_66 = tpu.memref_slice %arg8[%mul3A_65] : memref<10000xi32, #tpu.memory_space<vmem>> -> memref<80xi32, #tpu.memory_space<vmem>>
      %dma_wait3A_67 = arith.constant 0 : i32
      %dma_wait3A_68 = arith.constant 0 : i32
      %dma_wait3A_69 = tpu.memref_slice %arg2[%dma_wait3A_67, %dma_wait3A_68] : memref<10000x128xf32, #tpu.memory_space<hbm>> -> memref<10000x128xf32, #tpu.memory_space<hbm>>
      tpu.wait_indirect_dma semaphore(%arg12 : memref<!tpu.dma_semaphore, #tpu.memory_space<semaphore_mem>>) src(%dma_wait3A_69 : memref<10000x128xf32, #tpu.memory_space<hbm>>) dst(%arg10 : memref<80x128xf32, #tpu.memory_space<vmem>>)
      %mul3A_70 = arith.constant 80 : i32
      %mul3A_71 = arith.muli %add3A_55, %mul3A_70 : i32
      "tpu.region"() ({
        %run_scoped3A = tpu.sem_alloc : memref<!tpu.dma_semaphore, #tpu.memory_space<semaphore_mem>>
        %dma_start3A_90 = tpu.memref_slice %arg9[%mul3A_71] : memref<10000xi32, #tpu.memory_space<vmem>> -> memref<80xi32, #tpu.memory_space<vmem>>
        %dma_start3A_91 = arith.constant 0 : i32
        %dma_start3A_92 = arith.constant 0 : i32
        %dma_start3A_93 = tpu.memref_slice %arg7[%dma_start3A_91, %dma_start3A_92] : memref<10000x128xf32, #tpu.memory_space<vmem_shared>> -> memref<10000x128xf32, #tpu.memory_space<vmem_shared>>
        tpu.enqueue_indirect_dma source(%arg10 : memref<80x128xf32, #tpu.memory_space<vmem>>) target(%dma_start3A_93 : memref<10000x128xf32, #tpu.memory_space<vmem_shared>>) offsets(%dma_start3A_90 : memref<80xi32, #tpu.memory_space<vmem>>) semaphore(%run_scoped3A : memref<!tpu.dma_semaphore, #tpu.memory_space<semaphore_mem>>) {add = true}
        %dma_wait3A_94 = tpu.memref_slice %arg9[%mul3A_71] : memref<10000xi32, #tpu.memory_space<vmem>> -> memref<80xi32, #tpu.memory_space<vmem>>
        %dma_wait3A_95 = arith.constant 0 : i32
        %dma_wait3A_96 = arith.constant 0 : i32
        %dma_wait3A_97 = tpu.memref_slice %arg7[%dma_wait3A_95, %dma_wait3A_96] : memref<10000x128xf32, #tpu.memory_space<vmem_shared>> -> memref<10000x128xf32, #tpu.memory_space<vmem_shared>>
        tpu.wait_indirect_dma semaphore(%run_scoped3A : memref<!tpu.dma_semaphore, #tpu.memory_space<semaphore_mem>>) src(%arg10 : memref<80x128xf32, #tpu.memory_space<vmem>>) dst(%dma_wait3A_97 : memref<10000x128xf32, #tpu.memory_space<vmem_shared>>)
        tpu.yield
      }) : () -> ()
      %add3A_72 = arith.constant 2 : i32
      %add3A_73 = arith.addi %add3A_55, %add3A_72 : i32
      %mul3A_74 = arith.constant 80 : i32
      %mul3A_75 = arith.muli %add3A_73, %mul3A_74 : i32
      %dma_start3A_76 = tpu.memref_slice %arg8[%mul3A_75] : memref<10000xi32, #tpu.memory_space<vmem>> -> memref<80xi32, #tpu.memory_space<vmem>>
      %dma_start3A_77 = arith.constant 0 : i32
      %dma_start3A_78 = arith.constant 0 : i32
      %dma_start3A_79 = tpu.memref_slice %arg2[%dma_start3A_77, %dma_start3A_78] : memref<10000x128xf32, #tpu.memory_space<hbm>> -> memref<10000x128xf32, #tpu.memory_space<hbm>>
      tpu.enqueue_indirect_dma source(%dma_start3A_79 : memref<10000x128xf32, #tpu.memory_space<hbm>>) target(%arg10 : memref<80x128xf32, #tpu.memory_space<vmem>>) offsets(%dma_start3A_76 : memref<80xi32, #tpu.memory_space<vmem>>) semaphore(%arg12 : memref<!tpu.dma_semaphore, #tpu.memory_space<semaphore_mem>>)
      %add3A_80 = arith.constant 1 : i32
      %add3A_81 = arith.addi %add3A_55, %add3A_80 : i32
      %mul3A_82 = arith.constant 80 : i32
      %mul3A_83 = arith.muli %add3A_81, %mul3A_82 : i32
      %dma_wait3A_84 = tpu.memref_slice %arg8[%mul3A_83] : memref<10000xi32, #tpu.memory_space<vmem>> -> memref<80xi32, #tpu.memory_space<vmem>>
      %dma_wait3A_85 = arith.constant 0 : i32
      %dma_wait3A_86 = arith.constant 0 : i32
      %dma_wait3A_87 = tpu.memref_slice %arg2[%dma_wait3A_85, %dma_wait3A_86] : memref<10000x128xf32, #tpu.memory_space<hbm>> -> memref<10000x128xf32, #tpu.memory_space<hbm>>
      tpu.wait_indirect_dma semaphore(%arg13 : memref<!tpu.dma_semaphore, #tpu.memory_space<semaphore_mem>>) src(%dma_wait3A_87 : memref<10000x128xf32, #tpu.memory_space<hbm>>) dst(%arg11 : memref<80x128xf32, #tpu.memory_space<vmem>>)
      %mul3A_88 = arith.constant 80 : i32
      %mul3A_89 = arith.muli %add3A_81, %mul3A_88 : i32
      "tpu.region"() ({
        %run_scoped3A = tpu.sem_alloc : memref<!tpu.dma_semaphore, #tpu.memory_space<semaphore_mem>>
        %dma_start3A_90 = tpu.memref_slice %arg9[%mul3A_89] : memref<10000xi32, #tpu.memory_space<vmem>> -> memref<80xi32, #tpu.memory_space<vmem>>
        %dma_start3A_91 = arith.constant 0 : i32
        %dma_start3A_92 = arith.constant 0 : i32
        %dma_start3A_93 = tpu.memref_slice %arg7[%dma_start3A_91, %dma_start3A_92] : memref<10000x128xf32, #tpu.memory_space<vmem_shared>> -> memref<10000x128xf32, #tpu.memory_space<vmem_shared>>
        tpu.enqueue_indirect_dma source(%arg11 : memref<80x128xf32, #tpu.memory_space<vmem>>) target(%dma_start3A_93 : memref<10000x128xf32, #tpu.memory_space<vmem_shared>>) offsets(%dma_start3A_90 : memref<80xi32, #tpu.memory_space<vmem>>) semaphore(%run_scoped3A : memref<!tpu.dma_semaphore, #tpu.memory_space<semaphore_mem>>) {add = true}
        %dma_wait3A_94 = tpu.memref_slice %arg9[%mul3A_89] : memref<10000xi32, #tpu.memory_space<vmem>> -> memref<80xi32, #tpu.memory_space<vmem>>
        %dma_wait3A_95 = arith.constant 0 : i32
        %dma_wait3A_96 = arith.constant 0 : i32
        %dma_wait3A_97 = tpu.memref_slice %arg7[%dma_wait3A_95, %dma_wait3A_96] : memref<10000x128xf32, #tpu.memory_space<vmem_shared>> -> memref<10000x128xf32, #tpu.memory_space<vmem_shared>>
        tpu.wait_indirect_dma semaphore(%run_scoped3A : memref<!tpu.dma_semaphore, #tpu.memory_space<semaphore_mem>>) src(%arg11 : memref<80x128xf32, #tpu.memory_space<vmem>>) dst(%dma_wait3A_97 : memref<10000x128xf32, #tpu.memory_space<vmem_shared>>)
        tpu.yield
      }) : () -> ()
    }
    %scan3A_27 = arith.constant 62 : i32
    %dma_wait3A = arith.constant 9920 : i32
    %dma_wait3A_28 = tpu.memref_slice %arg8[%dma_wait3A] : memref<10000xi32, #tpu.memory_space<vmem>> -> memref<80xi32, #tpu.memory_space<vmem>>
    %dma_wait3A_29 = arith.constant 0 : i32
    %dma_wait3A_30 = arith.constant 0 : i32
    %dma_wait3A_31 = tpu.memref_slice %arg2[%dma_wait3A_29, %dma_wait3A_30] : memref<10000x128xf32, #tpu.memory_space<hbm>> -> memref<10000x128xf32, #tpu.memory_space<hbm>>
    tpu.wait_indirect_dma semaphore(%arg12 : memref<!tpu.dma_semaphore, #tpu.memory_space<semaphore_mem>>) src(%dma_wait3A_31 : memref<10000x128xf32, #tpu.memory_space<hbm>>) dst(%arg10 : memref<80x128xf32, #tpu.memory_space<vmem>>)
    "tpu.region"() ({
      %run_scoped3A = tpu.sem_alloc : memref<!tpu.dma_semaphore, #tpu.memory_space<semaphore_mem>>
      %dma_start3A_51 = arith.constant 9920 : i32
      %dma_start3A_52 = tpu.memref_slice %arg9[%dma_start3A_51] : memref<10000xi32, #tpu.memory_space<vmem>> -> memref<80xi32, #tpu.memory_space<vmem>>
      %dma_start3A_53 = arith.constant 0 : i32
      %dma_start3A_54 = arith.constant 0 : i32
      %dma_start3A_55 = tpu.memref_slice %arg7[%dma_start3A_53, %dma_start3A_54] : memref<10000x128xf32, #tpu.memory_space<vmem_shared>> -> memref<10000x128xf32, #tpu.memory_space<vmem_shared>>
      tpu.enqueue_indirect_dma source(%arg10 : memref<80x128xf32, #tpu.memory_space<vmem>>) target(%dma_start3A_55 : memref<10000x128xf32, #tpu.memory_space<vmem_shared>>) offsets(%dma_start3A_52 : memref<80xi32, #tpu.memory_space<vmem>>) semaphore(%run_scoped3A : memref<!tpu.dma_semaphore, #tpu.memory_space<semaphore_mem>>) {add = true}
      %dma_wait3A_56 = arith.constant 9920 : i32
      %dma_wait3A_57 = tpu.memref_slice %arg9[%dma_wait3A_56] : memref<10000xi32, #tpu.memory_space<vmem>> -> memref<80xi32, #tpu.memory_space<vmem>>
      %dma_wait3A_58 = arith.constant 0 : i32
      %dma_wait3A_59 = arith.constant 0 : i32
      %dma_wait3A_60 = tpu.memref_slice %arg7[%dma_wait3A_58, %dma_wait3A_59] : memref<10000x128xf32, #tpu.memory_space<vmem_shared>> -> memref<10000x128xf32, #tpu.memory_space<vmem_shared>>
      tpu.wait_indirect_dma semaphore(%run_scoped3A : memref<!tpu.dma_semaphore, #tpu.memory_space<semaphore_mem>>) src(%arg10 : memref<80x128xf32, #tpu.memory_space<vmem>>) dst(%dma_wait3A_60 : memref<10000x128xf32, #tpu.memory_space<vmem_shared>>)
      tpu.yield
    }) : () -> ()
    %barrier3A_32 = arith.constant 0 : index
    tpu.barrier barrier_id(%barrier3A_32)
    %sub3A_33 = arith.constant 125 : i32
    %sub3A_34 = arith.subi %sub3A_33, %arg1 : i32
    %sub3A_35 = arith.constant 16 : i32
    %sub3A_36 = arith.constant 1 : i32
    %sub3A_37 = arith.subi %sub3A_35, %sub3A_36 : i32
    %add3A_38 = arith.addi %sub3A_34, %sub3A_37 : i32
    %div3A_39 = arith.constant 16 : i32
    %div3A_40 = arith.divsi %add3A_38, %div3A_39 : i32
    %while3A_41 = arith.constant 16 : i32
    %while3A_42 = arith.constant 0 : i32
    %while3A_43 = arith.subi %div3A_40, %while3A_42 : i32
    %while3A_44 = arith.addi %while3A_42, %while3A_43 : i32
    %while3A_45 = arith.constant 1 : i32
    %while3A_46 = arith.divsi %while3A_43, %while3A_45 : i32
    %while3A_47 = arith.muli %while3A_46, %while3A_45 : i32
    %while3A_48 = arith.addi %while3A_42, %while3A_47 : i32
    %while3A_49 = arith.constant 1 : i32
    scf.for %while3A_51 = %while3A_42 to %while3A_48 step %while3A_49  : i32 {
      %mul3A_52 = arith.muli %while3A_51, %while3A_41 : i32
      %add3A_53 = arith.addi %arg1, %mul3A_52 : i32
      %mul3A_54 = arith.constant 80 : i32
      %mul3A_55 = arith.muli %add3A_53, %mul3A_54 : i32
      %mul3A_56 = arith.constant 10000 : i32
      %mul3A_57 = arith.muli %arg0, %mul3A_56 : i32
      %mul3A_58 = arith.constant 80 : i32
      %mul3A_59 = arith.muli %add3A_53, %mul3A_58 : i32
      %add3A_60 = arith.addi %mul3A_57, %mul3A_59 : i32
      "tpu.region"() ({
        %run_scoped3A = tpu.sem_alloc : memref<!tpu.dma_semaphore, #tpu.memory_space<semaphore_mem>>
        %dma_start3A_61 = arith.constant 0 : i32
        %dma_start3A_62 = tpu.memref_slice %arg6[%add3A_60, %dma_start3A_61] : memref<20000x128xf32, #tpu.memory_space<hbm>> -> memref<80x128xf32, #tpu.memory_space<hbm>>
        %dma_start3A_63 = arith.constant 0 : i32
        %dma_start3A_64 = tpu.memref_slice %arg7[%mul3A_55, %dma_start3A_63] : memref<10000x128xf32, #tpu.memory_space<vmem_shared>> -> memref<80x128xf32, #tpu.memory_space<vmem_shared>>
        tpu.enqueue_dma source(%dma_start3A_64 : memref<80x128xf32, #tpu.memory_space<vmem_shared>>) target(%dma_start3A_62 : memref<80x128xf32, #tpu.memory_space<hbm>>) target_semaphore(%run_scoped3A : memref<!tpu.dma_semaphore, #tpu.memory_space<semaphore_mem>>)
        %dma_wait3A_65 = arith.constant 0 : i32
        %dma_wait3A_66 = tpu.memref_slice %arg6[%add3A_60, %dma_wait3A_65] : memref<20000x128xf32, #tpu.memory_space<hbm>> -> memref<80x128xf32, #tpu.memory_space<hbm>>
        %dma_wait3A_67 = arith.constant 0 : i32
        %dma_wait3A_68 = tpu.memref_slice %arg7[%mul3A_55, %dma_wait3A_67] : memref<10000x128xf32, #tpu.memory_space<vmem_shared>> -> memref<80x128xf32, #tpu.memory_space<vmem_shared>>
        tpu.wait_dma2 semaphore(%run_scoped3A : memref<!tpu.dma_semaphore, #tpu.memory_space<semaphore_mem>>) src(%dma_wait3A_68 : memref<80x128xf32, #tpu.memory_space<vmem_shared>>) dst(%dma_wait3A_66 : memref<80x128xf32, #tpu.memory_space<hbm>>)
        tpu.yield
      }) : () -> ()
    }
    %while3A_50 = arith.constant 1 : i32
    scf.for %while3A_51 = %while3A_48 to %while3A_44 step %while3A_50  : i32 {
      %mul3A_52 = arith.muli %while3A_51, %while3A_41 : i32
      %add3A_53 = arith.addi %arg1, %mul3A_52 : i32
      %mul3A_54 = arith.constant 80 : i32
      %mul3A_55 = arith.muli %add3A_53, %mul3A_54 : i32
      %mul3A_56 = arith.constant 10000 : i32
      %mul3A_57 = arith.muli %arg0, %mul3A_56 : i32
      %mul3A_58 = arith.constant 80 : i32
      %mul3A_59 = arith.muli %add3A_53, %mul3A_58 : i32
      %add3A_60 = arith.addi %mul3A_57, %mul3A_59 : i32
      "tpu.region"() ({
        %run_scoped3A = tpu.sem_alloc : memref<!tpu.dma_semaphore, #tpu.memory_space<semaphore_mem>>
        %dma_start3A_61 = arith.constant 0 : i32
        %dma_start3A_62 = tpu.memref_slice %arg6[%add3A_60, %dma_start3A_61] : memref<20000x128xf32, #tpu.memory_space<hbm>> -> memref<80x128xf32, #tpu.memory_space<hbm>>
        %dma_start3A_63 = arith.constant 0 : i32
        %dma_start3A_64 = tpu.memref_slice %arg7[%mul3A_55, %dma_start3A_63] : memref<10000x128xf32, #tpu.memory_space<vmem_shared>> -> memref<80x128xf32, #tpu.memory_space<vmem_shared>>
        tpu.enqueue_dma source(%dma_start3A_64 : memref<80x128xf32, #tpu.memory_space<vmem_shared>>) target(%dma_start3A_62 : memref<80x128xf32, #tpu.memory_space<hbm>>) target_semaphore(%run_scoped3A : memref<!tpu.dma_semaphore, #tpu.memory_space<semaphore_mem>>)
        %dma_wait3A_65 = arith.constant 0 : i32
        %dma_wait3A_66 = tpu.memref_slice %arg6[%add3A_60, %dma_wait3A_65] : memref<20000x128xf32, #tpu.memory_space<hbm>> -> memref<80x128xf32, #tpu.memory_space<hbm>>
        %dma_wait3A_67 = arith.constant 0 : i32
        %dma_wait3A_68 = tpu.memref_slice %arg7[%mul3A_55, %dma_wait3A_67] : memref<10000x128xf32, #tpu.memory_space<vmem_shared>> -> memref<80x128xf32, #tpu.memory_space<vmem_shared>>
        tpu.wait_dma2 semaphore(%run_scoped3A : memref<!tpu.dma_semaphore, #tpu.memory_space<semaphore_mem>>) src(%dma_wait3A_68 : memref<80x128xf32, #tpu.memory_space<vmem_shared>>) dst(%dma_wait3A_66 : memref<80x128xf32, #tpu.memory_space<hbm>>)
        tpu.yield
      }) : () -> ()
    }
    return
  }
}

#map = affine_map<(d0, d1) -> (0)>
module attributes {stable_mosaic.version = 14 : i64} {
  func.func @_sc_scores_body(%arg0: i32, %arg1: i32, %arg2: memref<10000xf32, #tpu.memory_space<hbm>>, %arg3: memref<10000xf32, #tpu.memory_space<hbm>>, %arg4: memref<65536xi32, #tpu.memory_space<hbm>>, %arg5: memref<65536xi32, #tpu.memory_space<hbm>>, %arg6: memref<65536xi32, #tpu.memory_space<hbm>>, %arg7: memref<65536xi32, #tpu.memory_space<hbm>>, %arg8: memref<65536xf32, #tpu.memory_space<hbm>>, %arg9: memref<65536xf32, #tpu.memory_space<hbm>>, %arg10: memref<10000xf32, #tpu.memory_space<vmem>>, %arg11: memref<10000xf32, #tpu.memory_space<vmem>>, %arg12: memref<2048xi32, #tpu.memory_space<vmem>>, %arg13: memref<2048xi32, #tpu.memory_space<vmem>>, %arg14: memref<2048xf32, #tpu.memory_space<vmem>>) attributes {dimension_semantics = [#tpu.dimension_semantics<core_parallel>, #tpu.dimension_semantics<subcore_parallel>], iteration_bounds = array<i64: 2, 16>, scalar_prefetch = 0 : i64, scratch_operands = 5 : i64, tpu.core_type = #tpu.core_type<sc_vector_subcore>, window_params = [{transform_indices = #map}, {transform_indices = #map}, {transform_indices = #map}, {transform_indices = #map}, {transform_indices = #map}, {transform_indices = #map}, {transform_indices = #map}, {transform_indices = #map}]} {
    %mul3A = arith.constant 16 : i32
    %mul3A_0 = arith.muli %arg0, %mul3A : i32
    %add3A = arith.addi %mul3A_0, %arg1 : i32
    %mul3A_1 = arith.constant 2048 : i32
    %mul3A_2 = arith.muli %add3A, %mul3A_1 : i32
    "tpu.region"() ({
      %run_scoped3A = tpu.sem_alloc : memref<!tpu.dma_semaphore, #tpu.memory_space<semaphore_mem>>
      tpu.enqueue_dma source(%arg2 : memref<10000xf32, #tpu.memory_space<hbm>>) target(%arg10 : memref<10000xf32, #tpu.memory_space<vmem>>) target_semaphore(%run_scoped3A : memref<!tpu.dma_semaphore, #tpu.memory_space<semaphore_mem>>)
      tpu.wait_dma2 semaphore(%run_scoped3A : memref<!tpu.dma_semaphore, #tpu.memory_space<semaphore_mem>>) src(%arg2 : memref<10000xf32, #tpu.memory_space<hbm>>) dst(%arg10 : memref<10000xf32, #tpu.memory_space<vmem>>)
      tpu.yield
    }) : () -> ()
    "tpu.region"() ({
      %run_scoped3A = tpu.sem_alloc : memref<!tpu.dma_semaphore, #tpu.memory_space<semaphore_mem>>
      tpu.enqueue_dma source(%arg3 : memref<10000xf32, #tpu.memory_space<hbm>>) target(%arg11 : memref<10000xf32, #tpu.memory_space<vmem>>) target_semaphore(%run_scoped3A : memref<!tpu.dma_semaphore, #tpu.memory_space<semaphore_mem>>)
      tpu.wait_dma2 semaphore(%run_scoped3A : memref<!tpu.dma_semaphore, #tpu.memory_space<semaphore_mem>>) src(%arg3 : memref<10000xf32, #tpu.memory_space<hbm>>) dst(%arg11 : memref<10000xf32, #tpu.memory_space<vmem>>)
      tpu.yield
    }) : () -> ()
    "tpu.region"() ({
      %run_scoped3A = tpu.sem_alloc : memref<!tpu.dma_semaphore, #tpu.memory_space<semaphore_mem>>
      %dma_start3A = tpu.memref_slice %arg4[%mul3A_2] : memref<65536xi32, #tpu.memory_space<hbm>> -> memref<2048xi32, #tpu.memory_space<hbm>>
      %dma_start3A_12 = tpu.memref_slice %arg4[%mul3A_2] : memref<65536xi32, #tpu.memory_space<hbm>> -> memref<2048xi32, #tpu.memory_space<hbm>>
      tpu.enqueue_dma source(%dma_start3A_12 : memref<2048xi32, #tpu.memory_space<hbm>>) target(%arg12 : memref<2048xi32, #tpu.memory_space<vmem>>) target_semaphore(%run_scoped3A : memref<!tpu.dma_semaphore, #tpu.memory_space<semaphore_mem>>)
      %dma_wait3A = tpu.memref_slice %arg4[%mul3A_2] : memref<65536xi32, #tpu.memory_space<hbm>> -> memref<2048xi32, #tpu.memory_space<hbm>>
      %dma_wait3A_13 = tpu.memref_slice %arg4[%mul3A_2] : memref<65536xi32, #tpu.memory_space<hbm>> -> memref<2048xi32, #tpu.memory_space<hbm>>
      tpu.wait_dma2 semaphore(%run_scoped3A : memref<!tpu.dma_semaphore, #tpu.memory_space<semaphore_mem>>) src(%dma_wait3A_13 : memref<2048xi32, #tpu.memory_space<hbm>>) dst(%arg12 : memref<2048xi32, #tpu.memory_space<vmem>>)
      tpu.yield
    }) : () -> ()
    "tpu.region"() ({
      %run_scoped3A = tpu.sem_alloc : memref<!tpu.dma_semaphore, #tpu.memory_space<semaphore_mem>>
      %dma_start3A = tpu.memref_slice %arg5[%mul3A_2] : memref<65536xi32, #tpu.memory_space<hbm>> -> memref<2048xi32, #tpu.memory_space<hbm>>
      %dma_start3A_12 = tpu.memref_slice %arg5[%mul3A_2] : memref<65536xi32, #tpu.memory_space<hbm>> -> memref<2048xi32, #tpu.memory_space<hbm>>
      tpu.enqueue_dma source(%dma_start3A_12 : memref<2048xi32, #tpu.memory_space<hbm>>) target(%arg13 : memref<2048xi32, #tpu.memory_space<vmem>>) target_semaphore(%run_scoped3A : memref<!tpu.dma_semaphore, #tpu.memory_space<semaphore_mem>>)
      %dma_wait3A = tpu.memref_slice %arg5[%mul3A_2] : memref<65536xi32, #tpu.memory_space<hbm>> -> memref<2048xi32, #tpu.memory_space<hbm>>
      %dma_wait3A_13 = tpu.memref_slice %arg5[%mul3A_2] : memref<65536xi32, #tpu.memory_space<hbm>> -> memref<2048xi32, #tpu.memory_space<hbm>>
      tpu.wait_dma2 semaphore(%run_scoped3A : memref<!tpu.dma_semaphore, #tpu.memory_space<semaphore_mem>>) src(%dma_wait3A_13 : memref<2048xi32, #tpu.memory_space<hbm>>) dst(%arg13 : memref<2048xi32, #tpu.memory_space<vmem>>)
      tpu.yield
    }) : () -> ()
    %scan3A = arith.constant 0 : i32
    %scan3A_3 = arith.constant 128 : i32
    %scan3A_4 = arith.addi %scan3A, %scan3A_3 : i32
    %scan3A_5 = arith.constant 1 : i32
    scf.for %scan3A_12 = %scan3A to %scan3A_4 step %scan3A_5  : i32 {
      %mul3A_13 = arith.constant 16 : i32
      %mul3A_14 = arith.muli %scan3A_12, %mul3A_13 : i32
      %add3A_15 = arith.constant 0 : i32
      %add3A_16 = arith.addi %add3A_15, %mul3A_14 : i32
      %get3A = arith.index_cast %add3A_16 : i32 to index
      %get3A_17 = tpu.vector_load %arg12[%get3A] {strides = array<i32>} : memref<2048xi32, #tpu.memory_space<vmem>>, vector<16xi32>,
      %get3A_18 = arith.index_cast %add3A_16 : i32 to index
      %get3A_19 = tpu.vector_load %arg13[%get3A_18] {strides = array<i32>} : memref<2048xi32, #tpu.memory_space<vmem>>, vector<16xi32>,
      %gather3A = tpu.vector_load_idx %arg10[%get3A_17] : memref<10000xf32, #tpu.memory_space<vmem>>[vector<16xi32>], vector<16xf32>,
      %gather3A_20 = tpu.vector_load_idx %arg11[%get3A_19] : memref<10000xf32, #tpu.memory_space<vmem>>[vector<16xi32>], vector<16xf32>,
      %add3A_21 = arith.addf %gather3A, %gather3A_20 : vector<16xf32>
      %swap3A = arith.index_cast %add3A_16 : i32 to index
      %swap3A_22 = tpu.vector_load %arg14[%swap3A] {strides = array<i32>} : memref<2048xf32, #tpu.memory_space<vmem>>, vector<16xf32>,
      tpu.vector_store %arg14[%swap3A], %add3A_21 {strides = array<i32>} : memref<2048xf32, #tpu.memory_space<vmem>>, vector<16xf32>,
    }
    %scan3A_6 = arith.constant 128 : i32
    "tpu.region"() ({
      %run_scoped3A = tpu.sem_alloc : memref<!tpu.dma_semaphore, #tpu.memory_space<semaphore_mem>>
      %dma_start3A = tpu.memref_slice %arg8[%mul3A_2] : memref<65536xf32, #tpu.memory_space<hbm>> -> memref<2048xf32, #tpu.memory_space<hbm>>
      %dma_start3A_12 = tpu.memref_slice %arg8[%mul3A_2] : memref<65536xf32, #tpu.memory_space<hbm>> -> memref<2048xf32, #tpu.memory_space<hbm>>
      tpu.enqueue_dma source(%arg14 : memref<2048xf32, #tpu.memory_space<vmem>>) target(%dma_start3A_12 : memref<2048xf32, #tpu.memory_space<hbm>>) target_semaphore(%run_scoped3A : memref<!tpu.dma_semaphore, #tpu.memory_space<semaphore_mem>>)
      %dma_wait3A = tpu.memref_slice %arg8[%mul3A_2] : memref<65536xf32, #tpu.memory_space<hbm>> -> memref<2048xf32, #tpu.memory_space<hbm>>
      %dma_wait3A_13 = tpu.memref_slice %arg8[%mul3A_2] : memref<65536xf32, #tpu.memory_space<hbm>> -> memref<2048xf32, #tpu.memory_space<hbm>>
      tpu.wait_dma2 semaphore(%run_scoped3A : memref<!tpu.dma_semaphore, #tpu.memory_space<semaphore_mem>>) src(%arg14 : memref<2048xf32, #tpu.memory_space<vmem>>) dst(%dma_wait3A_13 : memref<2048xf32, #tpu.memory_space<hbm>>)
      tpu.yield
    }) : () -> ()
    "tpu.region"() ({
      %run_scoped3A = tpu.sem_alloc : memref<!tpu.dma_semaphore, #tpu.memory_space<semaphore_mem>>
      %dma_start3A = tpu.memref_slice %arg6[%mul3A_2] : memref<65536xi32, #tpu.memory_space<hbm>> -> memref<2048xi32, #tpu.memory_space<hbm>>
      %dma_start3A_12 = tpu.memref_slice %arg6[%mul3A_2] : memref<65536xi32, #tpu.memory_space<hbm>> -> memref<2048xi32, #tpu.memory_space<hbm>>
      tpu.enqueue_dma source(%dma_start3A_12 : memref<2048xi32, #tpu.memory_space<hbm>>) target(%arg12 : memref<2048xi32, #tpu.memory_space<vmem>>) target_semaphore(%run_scoped3A : memref<!tpu.dma_semaphore, #tpu.memory_space<semaphore_mem>>)
      %dma_wait3A = tpu.memref_slice %arg6[%mul3A_2] : memref<65536xi32, #tpu.memory_space<hbm>> -> memref<2048xi32, #tpu.memory_space<hbm>>
      %dma_wait3A_13 = tpu.memref_slice %arg6[%mul3A_2] : memref<65536xi32, #tpu.memory_space<hbm>> -> memref<2048xi32, #tpu.memory_space<hbm>>
      tpu.wait_dma2 semaphore(%run_scoped3A : memref<!tpu.dma_semaphore, #tpu.memory_space<semaphore_mem>>) src(%dma_wait3A_13 : memref<2048xi32, #tpu.memory_space<hbm>>) dst(%arg12 : memref<2048xi32, #tpu.memory_space<vmem>>)
      tpu.yield
    }) : () -> ()
    "tpu.region"() ({
      %run_scoped3A = tpu.sem_alloc : memref<!tpu.dma_semaphore, #tpu.memory_space<semaphore_mem>>
      %dma_start3A = tpu.memref_slice %arg7[%mul3A_2] : memref<65536xi32, #tpu.memory_space<hbm>> -> memref<2048xi32, #tpu.memory_space<hbm>>
      %dma_start3A_12 = tpu.memref_slice %arg7[%mul3A_2] : memref<65536xi32, #tpu.memory_space<hbm>> -> memref<2048xi32, #tpu.memory_space<hbm>>
      tpu.enqueue_dma source(%dma_start3A_12 : memref<2048xi32, #tpu.memory_space<hbm>>) target(%arg13 : memref<2048xi32, #tpu.memory_space<vmem>>) target_semaphore(%run_scoped3A : memref<!tpu.dma_semaphore, #tpu.memory_space<semaphore_mem>>)
      %dma_wait3A = tpu.memref_slice %arg7[%mul3A_2] : memref<65536xi32, #tpu.memory_space<hbm>> -> memref<2048xi32, #tpu.memory_space<hbm>>
      %dma_wait3A_13 = tpu.memref_slice %arg7[%mul3A_2] : memref<65536xi32, #tpu.memory_space<hbm>> -> memref<2048xi32, #tpu.memory_space<hbm>>
      tpu.wait_dma2 semaphore(%run_scoped3A : memref<!tpu.dma_semaphore, #tpu.memory_space<semaphore_mem>>) src(%dma_wait3A_13 : memref<2048xi32, #tpu.memory_space<hbm>>) dst(%arg13 : memref<2048xi32, #tpu.memory_space<vmem>>)
      tpu.yield
    }) : () -> ()
    %scan3A_7 = arith.constant 0 : i32
    %scan3A_8 = arith.constant 128 : i32
    %scan3A_9 = arith.addi %scan3A_7, %scan3A_8 : i32
    %scan3A_10 = arith.constant 1 : i32
    scf.for %scan3A_12 = %scan3A_7 to %scan3A_9 step %scan3A_10  : i32 {
      %mul3A_13 = arith.constant 16 : i32
      %mul3A_14 = arith.muli %scan3A_12, %mul3A_13 : i32
      %add3A_15 = arith.constant 0 : i32
      %add3A_16 = arith.addi %add3A_15, %mul3A_14 : i32
      %get3A = arith.index_cast %add3A_16 : i32 to index
      %get3A_17 = tpu.vector_load %arg12[%get3A] {strides = array<i32>} : memref<2048xi32, #tpu.memory_space<vmem>>, vector<16xi32>,
      %get3A_18 = arith.index_cast %add3A_16 : i32 to index
      %get3A_19 = tpu.vector_load %arg13[%get3A_18] {strides = array<i32>} : memref<2048xi32, #tpu.memory_space<vmem>>, vector<16xi32>,
      %gather3A = tpu.vector_load_idx %arg10[%get3A_17] : memref<10000xf32, #tpu.memory_space<vmem>>[vector<16xi32>], vector<16xf32>,
      %gather3A_20 = tpu.vector_load_idx %arg11[%get3A_19] : memref<10000xf32, #tpu.memory_space<vmem>>[vector<16xi32>], vector<16xf32>,
      %add3A_21 = arith.addf %gather3A, %gather3A_20 : vector<16xf32>
      %swap3A = arith.index_cast %add3A_16 : i32 to index
      %swap3A_22 = tpu.vector_load %arg14[%swap3A] {strides = array<i32>} : memref<2048xf32, #tpu.memory_space<vmem>>, vector<16xf32>,
      tpu.vector_store %arg14[%swap3A], %add3A_21 {strides = array<i32>} : memref<2048xf32, #tpu.memory_space<vmem>>, vector<16xf32>,
    }
    %scan3A_11 = arith.constant 128 : i32
    "tpu.region"() ({
      %run_scoped3A = tpu.sem_alloc : memref<!tpu.dma_semaphore, #tpu.memory_space<semaphore_mem>>
      %dma_start3A = tpu.memref_slice %arg9[%mul3A_2] : memref<65536xf32, #tpu.memory_space<hbm>> -> memref<2048xf32, #tpu.memory_space<hbm>>
      %dma_start3A_12 = tpu.memref_slice %arg9[%mul3A_2] : memref<65536xf32, #tpu.memory_space<hbm>> -> memref<2048xf32, #tpu.memory_space<hbm>>
      tpu.enqueue_dma source(%arg14 : memref<2048xf32, #tpu.memory_space<vmem>>) target(%dma_start3A_12 : memref<2048xf32, #tpu.memory_space<hbm>>) target_semaphore(%run_scoped3A : memref<!tpu.dma_semaphore, #tpu.memory_space<semaphore_mem>>)
      %dma_wait3A = tpu.memref_slice %arg9[%mul3A_2] : memref<65536xf32, #tpu.memory_space<hbm>> -> memref<2048xf32, #tpu.memory_space<hbm>>
      %dma_wait3A_13 = tpu.memref_slice %arg9[%mul3A_2] : memref<65536xf32, #tpu.memory_space<hbm>> -> memref<2048xf32, #tpu.memory_space<hbm>>
      tpu.wait_dma2 semaphore(%run_scoped3A : memref<!tpu.dma_semaphore, #tpu.memory_space<semaphore_mem>>) src(%arg14 : memref<2048xf32, #tpu.memory_space<vmem>>) dst(%dma_wait3A_13 : memref<2048xf32, #tpu.memory_space<hbm>>)
      tpu.yield
    }) : () -> ()
    return
  }
}

module attributes {stable_mosaic.version = 14 : i64} {
  func.func @_tc1_body(%arg0: i32, %arg1: memref<1000x128xf32, #tpu.memory_space<vmem>>, %arg2: memref<1000x128xf32, #tpu.memory_space<vmem>>, %arg3: memref<1000x1xf32, #tpu.memory_space<vmem>>, %arg4: memref<1000x1xf32, #tpu.memory_space<vmem>>, %arg5: memref<1000x128xf32, #tpu.memory_space<vmem>>, %arg6: memref<128x128xf32, #tpu.memory_space<vmem>>, %arg7: memref<128x128xf32, #tpu.memory_space<vmem>>, %arg8: memref<1x128xf32, #tpu.memory_space<vmem>>, %arg9: memref<1000x128xf32, #tpu.memory_space<vmem>>, %arg10: memref<1000x1xf32, #tpu.memory_space<vmem>>) attributes {dimension_semantics = [#tpu.dimension_semantics<arbitrary>], iteration_bounds = array<i64: 10>, scalar_prefetch = 0 : i64, scratch_operands = 0 : i64, tpu.core_type = #tpu.core_type<tc>, window_params = [{transform_indices = @transform_0, window_bounds = array<i64: 1000, 128>}, {transform_indices = @transform_1, window_bounds = array<i64: 1000, 128>}, {transform_indices = @transform_2, window_bounds = array<i64: 1000, 1>}, {transform_indices = @transform_3, window_bounds = array<i64: 1000, 1>}, {transform_indices = @transform_4, window_bounds = array<i64: 1000, 128>}, {pipeline_mode = #tpu.pipeline_mode<synchronous>, transform_indices = @transform_5, window_bounds = array<i64: 128, 128>}, {pipeline_mode = #tpu.pipeline_mode<synchronous>, transform_indices = @transform_6, window_bounds = array<i64: 128, 128>}, {pipeline_mode = #tpu.pipeline_mode<synchronous>, transform_indices = @transform_7, window_bounds = array<i64: 1, 128>}, {transform_indices = @transform_8, window_bounds = array<i64: 1000, 128>}, {transform_indices = @transform_9, window_bounds = array<i64: 1000, 1>}]} {
    %get3A = arith.constant 0 : index
    %get3A_0 = arith.constant 0 : index
    %get3A_1 = vector.load %arg3[%get3A, %get3A_0] : memref<1000x1xf32, #tpu.memory_space<vmem>>, vector<1000x1xf32>
    %get3A_2 = arith.constant 0 : index
    %get3A_3 = arith.constant 0 : index
    %get3A_4 = vector.load %arg4[%get3A_2, %get3A_3] : memref<1000x1xf32, #tpu.memory_space<vmem>>, vector<1000x1xf32>
    %add3A = arith.addf %get3A_1, %get3A_4 : vector<1000x1xf32>
    %max3A = arith.constant 1.000000e+00 : f32
    %max3A_5 = vector.broadcast %max3A : f32 to vector<1000x1xf32>
    %max3A_6 = arith.maximumf %add3A, %max3A_5 : vector<1000x1xf32>
    %div3A = arith.constant 1.000000e+00 : f32
    %div3A_7 = vector.broadcast %div3A : f32 to vector<1000x1xf32>
    %div3A_8 = arith.divf %div3A_7, %max3A_6 : vector<1000x1xf32>
    %get3A_9 = arith.constant 0 : index
    %get3A_10 = arith.constant 0 : index
    %get3A_11 = vector.load %arg1[%get3A_9, %get3A_10] : memref<1000x128xf32, #tpu.memory_space<vmem>>, vector<1000x128xf32>
    %get3A_12 = arith.constant 0 : index
    %get3A_13 = arith.constant 0 : index
    %get3A_14 = vector.load %arg2[%get3A_12, %get3A_13] : memref<1000x128xf32, #tpu.memory_space<vmem>>, vector<1000x128xf32>
    %add3A_15 = arith.addf %get3A_11, %get3A_14 : vector<1000x128xf32>
    %mul3A = vector.broadcast %div3A_8 : vector<1000x1xf32> to vector<1000x128xf32>
    %mul3A_16 = arith.mulf %add3A_15, %mul3A : vector<1000x128xf32>
    %get3A_17 = arith.constant 0 : index
    %get3A_18 = arith.constant 0 : index
    %get3A_19 = vector.load %arg6[%get3A_17, %get3A_18] : memref<128x128xf32, #tpu.memory_space<vmem>>, vector<128x128xf32>
    %dot_general3A = arith.constant dense<0.000000e+00> : vector<1000x128xf32>
    %dot_general3A_20 = tpu.matmul %mul3A_16, %get3A_19, %dot_general3A {dimension_numbers = #tpu.dot_dimension_numbers<[1], [0], [0], [1], [0, 0, 1, 1], [], []>, transpose_lhs_hint = false} : vector<1000x128xf32>, vector<128x128xf32>, vector<1000x128xf32> -> vector<1000x128xf32>
    %get3A_21 = arith.constant 0 : index
    %get3A_22 = arith.constant 0 : index
    %get3A_23 = vector.load %arg8[%get3A_21, %get3A_22] : memref<1x128xf32, #tpu.memory_space<vmem>>, vector<1x128xf32>
    %add3A_24 = vector.broadcast %get3A_23 : vector<1x128xf32> to vector<1000x128xf32>
    %add3A_25 = arith.addf %dot_general3A_20, %add3A_24 : vector<1000x128xf32>
    %get3A_26 = arith.constant 0 : index
    %get3A_27 = arith.constant 0 : index
    %get3A_28 = vector.load %arg5[%get3A_26, %get3A_27] : memref<1000x128xf32, #tpu.memory_space<vmem>>, vector<1000x128xf32>
    %get3A_29 = arith.constant 0 : index
    %get3A_30 = arith.constant 0 : index
    %get3A_31 = vector.load %arg7[%get3A_29, %get3A_30] : memref<128x128xf32, #tpu.memory_space<vmem>>, vector<128x128xf32>
    %dot_general3A_32 = arith.constant dense<0.000000e+00> : vector<1000x128xf32>
    %dot_general3A_33 = tpu.matmul %get3A_28, %get3A_31, %dot_general3A_32 {dimension_numbers = #tpu.dot_dimension_numbers<[1], [0], [0], [1], [0, 0, 1, 1], [], []>, transpose_lhs_hint = false} : vector<1000x128xf32>, vector<128x128xf32>, vector<1000x128xf32> -> vector<1000x128xf32>
    %add3A_34 = arith.addf %add3A_25, %dot_general3A_33 : vector<1000x128xf32>
    %max3A_35 = arith.constant 0.000000e+00 : f32
    %max3A_36 = vector.broadcast %max3A_35 : f32 to vector<1000x128xf32>
    %max3A_37 = arith.maximumf %add3A_34, %max3A_36 : vector<1000x128xf32>
    %swap3A = arith.constant 0 : index
    %swap3A_38 = arith.constant 0 : index
    %swap3A_39 = vector.load %arg9[%swap3A, %swap3A_38] : memref<1000x128xf32, #tpu.memory_space<vmem>>, vector<1000x128xf32>
    tpu.vector_store %arg9[%swap3A, %swap3A_38], %max3A_37 {strides = array<i32>} : memref<1000x128xf32, #tpu.memory_space<vmem>>, vector<1000x128xf32>,
    %swap3A_40 = arith.constant 0 : index
    %swap3A_41 = arith.constant 0 : index
    %swap3A_42 = vector.load %arg10[%swap3A_40, %swap3A_41] : memref<1000x1xf32, #tpu.memory_space<vmem>>, vector<1000x1xf32>
    tpu.vector_store %arg10[%swap3A_40, %swap3A_41], %div3A_8 {strides = array<i32>} : memref<1000x1xf32, #tpu.memory_space<vmem>>, vector<1000x1xf32>,
    return
  }
  func.func @transform_0(%arg0: i32) -> (i32, i32) {
    %c0_i32 = arith.constant 0 : i32
    %c0_i32_0 = arith.constant 0 : i32
    return %arg0, %c0_i32 : i32, i32
  }
  func.func @transform_1(%arg0: i32) -> (i32, i32) {
    %c0_i32 = arith.constant 0 : i32
    %c0_i32_0 = arith.constant 0 : i32
    return %arg0, %c0_i32 : i32, i32
  }
  func.func @transform_2(%arg0: i32) -> (i32, i32) {
    %c0_i32 = arith.constant 0 : i32
    %c0_i32_0 = arith.constant 0 : i32
    return %arg0, %c0_i32 : i32, i32
  }
  func.func @transform_3(%arg0: i32) -> (i32, i32) {
    %c0_i32 = arith.constant 0 : i32
    %c0_i32_0 = arith.constant 0 : i32
    return %arg0, %c0_i32 : i32, i32
  }
  func.func @transform_4(%arg0: i32) -> (i32, i32) {
    %c0_i32 = arith.constant 0 : i32
    %c0_i32_0 = arith.constant 0 : i32
    return %arg0, %c0_i32 : i32, i32
  }
  func.func @transform_5(%arg0: i32) -> (i32, i32) {
    %c0_i32 = arith.constant 0 : i32
    %c0_i32_0 = arith.constant 0 : i32
    %c0_i32_1 = arith.constant 0 : i32
    return %c0_i32, %c0_i32_0 : i32, i32
  }
  func.func @transform_6(%arg0: i32) -> (i32, i32) {
    %c0_i32 = arith.constant 0 : i32
    %c0_i32_0 = arith.constant 0 : i32
    %c0_i32_1 = arith.constant 0 : i32
    return %c0_i32, %c0_i32_0 : i32, i32
  }
  func.func @transform_7(%arg0: i32) -> (i32, i32) {
    %c0_i32 = arith.constant 0 : i32
    %c0_i32_0 = arith.constant 0 : i32
    %c0_i32_1 = arith.constant 0 : i32
    return %c0_i32, %c0_i32_0 : i32, i32
  }
  func.func @transform_8(%arg0: i32) -> (i32, i32) {
    %c0_i32 = arith.constant 0 : i32
    %c0_i32_0 = arith.constant 0 : i32
    return %arg0, %c0_i32 : i32, i32
  }
  func.func @transform_9(%arg0: i32) -> (i32, i32) {
    %c0_i32 = arith.constant 0 : i32
    %c0_i32_0 = arith.constant 0 : i32
    return %arg0, %c0_i32 : i32, i32
  }
}

module attributes {stable_mosaic.version = 14 : i64} {
  func.func @_tc2_body(%arg0: i32, %arg1: memref<1000x128xf32, #tpu.memory_space<vmem>>, %arg2: memref<1000x128xf32, #tpu.memory_space<vmem>>, %arg3: memref<1000x1xf32, #tpu.memory_space<vmem>>, %arg4: memref<1000x128xf32, #tpu.memory_space<vmem>>, %arg5: memref<128x128xf32, #tpu.memory_space<vmem>>, %arg6: memref<128x128xf32, #tpu.memory_space<vmem>>, %arg7: memref<1x128xf32, #tpu.memory_space<vmem>>, %arg8: memref<128x1xf32, #tpu.memory_space<vmem>>, %arg9: memref<128x1xf32, #tpu.memory_space<vmem>>, %arg10: memref<1x1xf32, #tpu.memory_space<vmem>>, %arg11: memref<1000x1xf32, #tpu.memory_space<vmem>>, %arg12: memref<1000x1xf32, #tpu.memory_space<vmem>>) attributes {dimension_semantics = [#tpu.dimension_semantics<arbitrary>], iteration_bounds = array<i64: 10>, scalar_prefetch = 0 : i64, scratch_operands = 0 : i64, tpu.core_type = #tpu.core_type<tc>, window_params = [{transform_indices = @transform_0, window_bounds = array<i64: 1000, 128>}, {transform_indices = @transform_1, window_bounds = array<i64: 1000, 128>}, {transform_indices = @transform_2, window_bounds = array<i64: 1000, 1>}, {transform_indices = @transform_3, window_bounds = array<i64: 1000, 128>}, {pipeline_mode = #tpu.pipeline_mode<synchronous>, transform_indices = @transform_4, window_bounds = array<i64: 128, 128>}, {pipeline_mode = #tpu.pipeline_mode<synchronous>, transform_indices = @transform_5, window_bounds = array<i64: 128, 128>}, {pipeline_mode = #tpu.pipeline_mode<synchronous>, transform_indices = @transform_6, window_bounds = array<i64: 1, 128>}, {pipeline_mode = #tpu.pipeline_mode<synchronous>, transform_indices = @transform_7, window_bounds = array<i64: 128, 1>}, {pipeline_mode = #tpu.pipeline_mode<synchronous>, transform_indices = @transform_8, window_bounds = array<i64: 128, 1>}, {pipeline_mode = #tpu.pipeline_mode<synchronous>, transform_indices = @transform_9, window_bounds = array<i64: 1, 1>}, {transform_indices = @transform_10, window_bounds = array<i64: 1000, 1>}, {transform_indices = @transform_11, window_bounds = array<i64: 1000, 1>}]} {
    %get3A = arith.constant 0 : index
    %get3A_0 = arith.constant 0 : index
    %get3A_1 = vector.load %arg1[%get3A, %get3A_0] : memref<1000x128xf32, #tpu.memory_space<vmem>>, vector<1000x128xf32>
    %get3A_2 = arith.constant 0 : index
    %get3A_3 = arith.constant 0 : index
    %get3A_4 = vector.load %arg2[%get3A_2, %get3A_3] : memref<1000x128xf32, #tpu.memory_space<vmem>>, vector<1000x128xf32>
    %add3A = arith.addf %get3A_1, %get3A_4 : vector<1000x128xf32>
    %get3A_5 = arith.constant 0 : index
    %get3A_6 = arith.constant 0 : index
    %get3A_7 = vector.load %arg3[%get3A_5, %get3A_6] : memref<1000x1xf32, #tpu.memory_space<vmem>>, vector<1000x1xf32>
    %mul3A = vector.broadcast %get3A_7 : vector<1000x1xf32> to vector<1000x128xf32>
    %mul3A_8 = arith.mulf %add3A, %mul3A : vector<1000x128xf32>
    %get3A_9 = arith.constant 0 : index
    %get3A_10 = arith.constant 0 : index
    %get3A_11 = vector.load %arg5[%get3A_9, %get3A_10] : memref<128x128xf32, #tpu.memory_space<vmem>>, vector<128x128xf32>
    %dot_general3A = arith.constant dense<0.000000e+00> : vector<1000x128xf32>
    %dot_general3A_12 = tpu.matmul %mul3A_8, %get3A_11, %dot_general3A {dimension_numbers = #tpu.dot_dimension_numbers<[1], [0], [0], [1], [0, 0, 1, 1], [], []>, transpose_lhs_hint = false} : vector<1000x128xf32>, vector<128x128xf32>, vector<1000x128xf32> -> vector<1000x128xf32>
    %get3A_13 = arith.constant 0 : index
    %get3A_14 = arith.constant 0 : index
    %get3A_15 = vector.load %arg7[%get3A_13, %get3A_14] : memref<1x128xf32, #tpu.memory_space<vmem>>, vector<1x128xf32>
    %add3A_16 = vector.broadcast %get3A_15 : vector<1x128xf32> to vector<1000x128xf32>
    %add3A_17 = arith.addf %dot_general3A_12, %add3A_16 : vector<1000x128xf32>
    %get3A_18 = arith.constant 0 : index
    %get3A_19 = arith.constant 0 : index
    %get3A_20 = vector.load %arg4[%get3A_18, %get3A_19] : memref<1000x128xf32, #tpu.memory_space<vmem>>, vector<1000x128xf32>
    %get3A_21 = arith.constant 0 : index
    %get3A_22 = arith.constant 0 : index
    %get3A_23 = vector.load %arg6[%get3A_21, %get3A_22] : memref<128x128xf32, #tpu.memory_space<vmem>>, vector<128x128xf32>
    %dot_general3A_24 = arith.constant dense<0.000000e+00> : vector<1000x128xf32>
    %dot_general3A_25 = tpu.matmul %get3A_20, %get3A_23, %dot_general3A_24 {dimension_numbers = #tpu.dot_dimension_numbers<[1], [0], [0], [1], [0, 0, 1, 1], [], []>, transpose_lhs_hint = false} : vector<1000x128xf32>, vector<128x128xf32>, vector<1000x128xf32> -> vector<1000x128xf32>
    %add3A_26 = arith.addf %add3A_17, %dot_general3A_25 : vector<1000x128xf32>
    %get3A_27 = arith.constant 0 : index
    %get3A_28 = arith.constant 0 : index
    %get3A_29 = vector.load %arg8[%get3A_27, %get3A_28] : memref<128x1xf32, #tpu.memory_space<vmem>>, vector<128x1xf32>
    %dot_general3A_30 = arith.constant dense<0.000000e+00> : vector<1000x1xf32>
    %dot_general3A_31 = tpu.matmul %add3A_26, %get3A_29, %dot_general3A_30 {dimension_numbers = #tpu.dot_dimension_numbers<[1], [0], [0], [1], [0, 0, 1, 1], [], []>, transpose_lhs_hint = false} : vector<1000x128xf32>, vector<128x1xf32>, vector<1000x1xf32> -> vector<1000x1xf32>
    %get3A_32 = arith.constant 0 : index
    %get3A_33 = arith.constant 0 : index
    %get3A_34 = vector.load %arg10[%get3A_32, %get3A_33] : memref<1x1xf32, #tpu.memory_space<vmem>>, vector<1x1xf32>
    %add3A_35 = vector.broadcast %get3A_34 : vector<1x1xf32> to vector<1000x1xf32>
    %add3A_36 = arith.addf %dot_general3A_31, %add3A_35 : vector<1000x1xf32>
    %swap3A = arith.constant 0 : index
    %swap3A_37 = arith.constant 0 : index
    %swap3A_38 = vector.load %arg11[%swap3A, %swap3A_37] : memref<1000x1xf32, #tpu.memory_space<vmem>>, vector<1000x1xf32>
    tpu.vector_store %arg11[%swap3A, %swap3A_37], %add3A_36 {strides = array<i32>} : memref<1000x1xf32, #tpu.memory_space<vmem>>, vector<1000x1xf32>,
    %get3A_39 = arith.constant 0 : index
    %get3A_40 = arith.constant 0 : index
    %get3A_41 = vector.load %arg9[%get3A_39, %get3A_40] : memref<128x1xf32, #tpu.memory_space<vmem>>, vector<128x1xf32>
    %dot_general3A_42 = arith.constant dense<0.000000e+00> : vector<1000x1xf32>
    %dot_general3A_43 = tpu.matmul %add3A_26, %get3A_41, %dot_general3A_42 {dimension_numbers = #tpu.dot_dimension_numbers<[1], [0], [0], [1], [0, 0, 1, 1], [], []>, transpose_lhs_hint = false} : vector<1000x128xf32>, vector<128x1xf32>, vector<1000x1xf32> -> vector<1000x1xf32>
    %swap3A_44 = arith.constant 0 : index
    %swap3A_45 = arith.constant 0 : index
    %swap3A_46 = vector.load %arg12[%swap3A_44, %swap3A_45] : memref<1000x1xf32, #tpu.memory_space<vmem>>, vector<1000x1xf32>
    tpu.vector_store %arg12[%swap3A_44, %swap3A_45], %dot_general3A_43 {strides = array<i32>} : memref<1000x1xf32, #tpu.memory_space<vmem>>, vector<1000x1xf32>,
    return
  }
  func.func @transform_0(%arg0: i32) -> (i32, i32) {
    %c0_i32 = arith.constant 0 : i32
    %c0_i32_0 = arith.constant 0 : i32
    return %arg0, %c0_i32 : i32, i32
  }
  func.func @transform_1(%arg0: i32) -> (i32, i32) {
    %c0_i32 = arith.constant 0 : i32
    %c0_i32_0 = arith.constant 0 : i32
    return %arg0, %c0_i32 : i32, i32
  }
  func.func @transform_2(%arg0: i32) -> (i32, i32) {
    %c0_i32 = arith.constant 0 : i32
    %c0_i32_0 = arith.constant 0 : i32
    return %arg0, %c0_i32 : i32, i32
  }
  func.func @transform_3(%arg0: i32) -> (i32, i32) {
    %c0_i32 = arith.constant 0 : i32
    %c0_i32_0 = arith.constant 0 : i32
    return %arg0, %c0_i32 : i32, i32
  }
  func.func @transform_4(%arg0: i32) -> (i32, i32) {
    %c0_i32 = arith.constant 0 : i32
    %c0_i32_0 = arith.constant 0 : i32
    %c0_i32_1 = arith.constant 0 : i32
    return %c0_i32, %c0_i32_0 : i32, i32
  }
  func.func @transform_5(%arg0: i32) -> (i32, i32) {
    %c0_i32 = arith.constant 0 : i32
    %c0_i32_0 = arith.constant 0 : i32
    %c0_i32_1 = arith.constant 0 : i32
    return %c0_i32, %c0_i32_0 : i32, i32
  }
  func.func @transform_6(%arg0: i32) -> (i32, i32) {
    %c0_i32 = arith.constant 0 : i32
    %c0_i32_0 = arith.constant 0 : i32
    %c0_i32_1 = arith.constant 0 : i32
    return %c0_i32, %c0_i32_0 : i32, i32
  }
  func.func @transform_7(%arg0: i32) -> (i32, i32) {
    %c0_i32 = arith.constant 0 : i32
    %c0_i32_0 = arith.constant 0 : i32
    %c0_i32_1 = arith.constant 0 : i32
    return %c0_i32, %c0_i32_0 : i32, i32
  }
  func.func @transform_8(%arg0: i32) -> (i32, i32) {
    %c0_i32 = arith.constant 0 : i32
    %c0_i32_0 = arith.constant 0 : i32
    %c0_i32_1 = arith.constant 0 : i32
    return %c0_i32, %c0_i32_0 : i32, i32
  }
  func.func @transform_9(%arg0: i32) -> (i32, i32) {
    %c0_i32 = arith.constant 0 : i32
    %c0_i32_0 = arith.constant 0 : i32
    %c0_i32_1 = arith.constant 0 : i32
    return %c0_i32, %c0_i32_0 : i32, i32
  }
  func.func @transform_10(%arg0: i32) -> (i32, i32) {
    %c0_i32 = arith.constant 0 : i32
    %c0_i32_0 = arith.constant 0 : i32
    return %arg0, %c0_i32 : i32, i32
  }
  func.func @transform_11(%arg0: i32) -> (i32, i32) {
    %c0_i32 = arith.constant 0 : i32
    %c0_i32_0 = arith.constant 0 : i32
    return %arg0, %c0_i32 : i32, i32
  }
}

</mosaic_0001>

<sc_bundles>
// kernel: kernel.10.cloned.1.call-start
scs
__scs_entry_jumppad:
0x0: {  	(pc) =	sbr.rel $0x88, $3  }
0x1: {  	(tag) =	ssettag $0x0;
	lr =	simm.s32 $0x1  }
0x2: {  	[smem:$0x3F95] =	sst lr;
	_ =	strace $0xD0000000  }
0x3: {  	_ = 	snop  }
0x4: {  	_ = 	snop  }
0x5: {  	_ = 	snop  }
0x6: {  	_ = 	snop  }
0x7: {  	_ = 	snop  }
__scs_overlays_trampoline_lowered:
0x8: {  	[smem:$0x3FA4] =	sst s0  }
0x9: {  	[smem:$0x3FA5] =	sst s1  }
0xa: {  	[smem:$0x3FA6] =	sst s2  }
0xb: {  	[smem:$0x3FA7] =	sst s3  }
0xc: {  	[smem:$0x3FA8] =	sst s4  }
0xd: {  	[smem:$0x3FA9] =	sst s5  }
0xe: {  	[smem:$0x3FAA] =	sst s6  }
0xf: {  	[smem:$0x3FAB] =	sst s7  }
0x10: {  	[smem:$0x3FAC] =	sst s8  }
0x11: {  	[smem:$0x3FAD] =	sst s9;
	s0 =	simm.s32 @!p0 $0x0  }
0x12: {  	s1 =	sld [smem:$0x3F93];
	s0 =	simm.s32 @p0 $0x1  }
0x13: {  	[smem:$0x3FAE] =	sst s0;
	s0 =	simm.s32 @!p1 $0x0  }
0x14: {  	s2 =	sld [smem:$0x3F92];
	s0 =	simm.s32 @p1 $0x1  }
0x15: {  	[smem:$0x3FAF] =	sst s0;
	s0 =	simm.s32 @!p2 $0x0  }
0x16: {  	s3 =	sld [smem:$0x3FDB];
	s0 =	simm.s32 @p2 $0x1  }
0x17: {  	s4 =	simm.s32 $0x1BF5;
	[smem:$0x3FB1] =	sst s0  }
0x18: {  	s0 =	sld [smem:$0x3F94];
	_ =	swait.ge [sflag:s4], $0x0  }
0x19: {  	s7 =	sld [smem:$0x3F95]  }
0x1a: {  	s8 =	sadd.s32 $0xFFFFE003, lr  }
0x1b: {  	s9 =	sadd.s32 $0xFFFFFEF7, lr;
	s5 =	simm.s32 $0xFFFFFFFF;
	p2 =	slt.u32 s8, $0xFFFFF086  }
0x1c: {  	p1 =	slt.u32 s9, $0xF7A;
	s5 =	simm.s32 @!p2 $0x0  }
0x1d: {  	s5 =	simm.s32 @p1 $0x1;
	p0 =	seq.s32 s7, s2  }
0x1e: {  	s7 =	smul.u32 @!p0 $0xF7A, s2;
	p2 =	seq.s32 @!p0 s5, $0x0  }
0x1f: {  	s9 =	smul.u32 $0xF7A, s1;
	s8 =	simm.s32 @!p0 $0x1BF5;
	p2 =	por !p2, p0  }
0x20: {  	[sflag:s8] =	ssyncset.s32 @!p0 $0xFFFFF086;
	s6 =	sadd.s32 @!p0 s3, s7;
	s7 =	simm.s32 @!p0 $0x108  }
0x21: {  	s3 =	sadd.s32 s3, s9;
	s6 =	sadd.s32 @!p0 $0x88, s6;
	s7 =	simm.s32 @p2 $0x1082  }
0x22: {  	[simem:s7], [sflag:s8] =	dma.local @!p0 [hbm:s6], $0xF7A  }
0x23: {  	s9 =	sor.u32 $0xD0000000, s2;
	s6 =	simm.s32 $0x108;
	_ =	swait.ge @!p0 [sflag:s8], $0x0  }
0x24: {  	s3 =	sadd.s32 $0x88, s3;
	s6 =	simm.s32 @!p1 $0x1082;
	[sflag:s4] =	ssyncset.s32 $0xFFFFF086  }
0x25: {  	[simem:s6], [sflag:s4] =	dma.local [hbm:s3], $0xF7A  }
0x26: {  	[smem:$0x3F95] =	sst s1;
	(tag) =	ssettag s2;
	_ =	strace s9  }
0x27: {  	s1 =	sld [smem:$0x3FA5]  }
0x28: {  	s2 =	sld [smem:$0x3FA6]  }
0x29: {  	s4 =	sld [smem:$0x3FA8]  }
0x2a: {  	p0 =	seq.s32 s5, $0x0;
	s5 =	sld [smem:$0x3FA9]  }
0x2b: {  	s6 =	sld [smem:$0x3FAA]  }
0x2c: {  	s7 =	sld [smem:$0x3FAB]  }
0x2d: {  	s3 =	simm.s32 $0x108;
	s8 =	sld [smem:$0x3FAC]  }
0x2e: {  	s3 =	simm.s32 @!p0 $0x1082;
	s9 =	sld [smem:$0x3FAD]  }
0x2f: {  	lr =	sadd.s32 s0, s3;
	s0 =	sld [smem:$0x3FA4]  }
0x30: {  	s3 =	sld [smem:$0x3FA7]  }
0x31: {  	[smem:$0x3FB0] =	sst s10  }
0x32: {  	s10 =	sld [smem:$0x3FAE];
	_ =	sdelay $0x3  }
0x33: {  	p0 =	seq.s32 s10, $0x1;
	s10 =	sld [smem:$0x3FB0];
	_ =	sdelay $0x3  }
0x34: {  	[smem:$0x3FB0] =	sst s10  }
0x35: {  	s10 =	sld [smem:$0x3FAF];
	_ =	sdelay $0x3  }
0x36: {  	p1 =	seq.s32 s10, $0x1;
	s10 =	sld [smem:$0x3FB0];
	_ =	sdelay $0x3  }
0x37: {  	[smem:$0x3FB0] =	sst s10  }
0x38: {  	s10 =	sld [smem:$0x3FB1]  }
0x39: {  	_ = 	snop;
	(pc) =	sbr.ind lr, $3  }
0x3a: {  	_ = 	snop  }
0x3b: {  	_ = 	snop  }
0x3c: {  	p2 =	seq.s32 s10, $0x1;
	s10 =	sld [smem:$0x3FB0]  }
0x3d: {  	_ =	shalt  }
0x3e: {  	_ =	shalt  }
0x3f: {  	_ =	shalt  }
0x40: {  	_ =	shalt  }
0x41: {  	_ =	shalt  }
0x42: {  	_ =	shalt  }
0x43: {  	_ =	shalt  }
0x44: {  	_ =	shalt  }
0x45: {  	_ =	shalt  }
0x46: {  	_ =	shalt  }
0x47: {  	_ =	shalt  }
0x48: {  	_ =	shalt  }
0x49: {  	_ =	shalt  }
0x4a: {  	_ =	shalt  }
0x4b: {  	_ =	shalt  }
0x4c: {  	_ =	shalt  }
0x4d: {  	_ =	shalt  }
0x4e: {  	_ =	shalt  }
0x4f: {  	_ =	shalt  }
0x50: {  	_ =	shalt  }
0x51: {  	_ =	shalt  }
0x52: {  	_ =	shalt  }
0x53: {  	_ =	shalt  }
0x54: {  	_ =	shalt  }
0x55: {  	_ =	shalt  }
0x56: {  	_ =	shalt  }
0x57: {  	_ =	shalt  }
0x58: {  	_ =	shalt  }
0x59: {  	_ =	shalt  }
0x5a: {  	_ =	shalt  }
0x5b: {  	_ =	shalt  }
0x5c: {  	_ =	shalt  }
0x5d: {  	_ =	shalt  }
0x5e: {  	_ =	shalt  }
0x5f: {  	_ =	shalt  }
0x60: {  	_ =	shalt  }
0x61: {  	_ =	shalt  }
0x62: {  	_ =	shalt  }
0x63: {  	_ =	shalt  }
0x64: {  	_ =	shalt  }
0x65: {  	_ =	shalt  }
0x66: {  	_ =	shalt  }
0x67: {  	_ =	shalt  }
0x68: {  	_ =	shalt  }
0x69: {  	_ =	shalt  }
0x6a: {  	_ =	shalt  }
0x6b: {  	_ =	shalt  }
0x6c: {  	_ =	shalt  }
0x6d: {  	_ =	shalt  }
0x6e: {  	_ =	shalt  }
0x6f: {  	_ =	shalt  }
0x70: {  	_ =	shalt  }
0x71: {  	_ =	shalt  }
0x72: {  	_ =	shalt  }
0x73: {  	_ =	shalt  }
0x74: {  	_ =	shalt  }
0x75: {  	_ =	shalt  }
0x76: {  	_ =	shalt  }
0x77: {  	_ =	shalt  }
0x78: {  	_ =	shalt  }
0x79: {  	_ =	shalt  }
0x7a: {  	_ =	shalt  }
0x7b: {  	_ =	shalt  }
0x7c: {  	_ =	shalt  }
0x7d: {  	_ =	shalt  }
0x7e: {  	_ =	shalt  }
0x7f: {  	_ =	shalt  }
0x80: {  	_ =	shalt  }
0x81: {  	_ =	shalt  }
0x82: {  	_ =	shalt  }
0x83: {  	_ =	shalt  }
0x84: {  	_ =	shalt  }
0x85: {  	_ =	shalt  }
0x86: {  	_ =	shalt  }
0x87: {  	_ =	shalt  }
.Lfunc_end0:
.L_simem_size_0:
called_computation.1_lowered:
.L_overlay_start_0:
0x88: {  	s2 =	sld [smem:$0x3FD9]  }
0x89: {  	s3 =	sld [smem:$0x3FFE];
	_ =	sdelay $0x1  }
0x8a: {  	s1 =	srdreg.scid  }
0x8b: {  	s0 =	sand.u32 $0x1, s1  }
0x8c: {  	s14 =	sshll.u32 s0, $0xA;
	s2 =	sadd.s32 s3, s2  }
0x8d: {  	s2 =	sadd.s32 s2, s14  }
0x8e: {  	[smem:$0x3FBC] =	sst s2  }
0x8f: {  	_ = 	snop  }
0x90: {  	s2 =	sld [smem:$0x3FD0];
	_ =	sdelay $0x2  }
0x91: {  	s15 =	simm.s32 $0xA;
	s4 =	simm.s32 $0x10  }
0x92: {  	[smem:s4], [sflag:s15] =	dma.local [hbm:s2], $0x1  }
0x93: {  	_ =	swait.eq [sflag:s15], $0x1  }
0x94: {  	[sflag:s15] =	ssyncset.done $0x0  }
0x95: {  	[sflag:s15] =	ssyncadd.s32 $0xFFFFFFFF  }
0x96: {  	s16 =	sld [smem:$0x10];
	(tm) =	ssettm $0x1  }
0x97: {  	s17 =	sld [smem:$0x3FFB];
	_ =	sdelay $0x3  }
0x98: {  	_ =	strace s17  }
0x99: {  	s3 =	sld [smem:$0x3FFC];
	_ =	sdelay $0x3  }
0x9a: {  	_ =	strace s3  }
0x9b: {  	s3 =	sld [smem:$0x3FFD];
	_ =	sdelay $0x3  }
0x9c: {  	_ =	strace s3  }
0x9d: {  	_ =	strace $0x8FFFFFFF  }
0x9e: {  	s18 =	sld [smem:$0x3FDB];
	_ =	sdelay $0x1  }
0x9f: {  	s19 =	simm.s32 $_scs_section_size  }
0xa0: {  	s5 =	simm.s32 $_size__tile_overlayer_lowered;
	s6 =	simm.s32 $_tile_overlayer_lowered  }
0xa1: {  	s22 =	simm.s32 $0x1BFF;
	s21 =	sshll.u32 s6, $0x1;
	s3 =	sadd.s32 s19, s18  }
0xa2: {  	s7 =	simm.s32 $0x0;
	s20 =	sshll.u32 s5, $0x1;
	s5 =	sadd.s32 s21, s3  }
0xa3: {  	[timem:s7], [sflag:s22] =	dma.local [hbm:s5], s20  }
0xa4: {  	_ =	swait.ge [sflag:s22], s20  }
0xa5: {  	s4 =	ssub.s32 $0x0, s20;
	[sflag:s22] =	ssyncset.done $0x0  }
0xa6: {  	[sflag:s22] =	ssyncadd.s32 s4;
	_ =	sdelay $0x1  }
0xa7: {  	s23 =	simm.s32 $0x1B8B  }
0xa8: {  	_ =	swait.ge [sflag:s23], $0x1  }
0xa9: {  	[sflag:s23] =	ssyncset.done $0x0  }
0xaa: {  	s25 =	simm.s32 $0x1B8E;
	s24 =	sld [smem:$0x3FFE];
	[sflag:s23] =	ssyncadd.s32 $0xFFFFFFFF  }
0xab: {  	s26 =	simm.s32 $execute0_lowered;
	[smem:$0x3FD2] =	sst s25  }
0xac: {  	s5 =	sshll.u32 s26, $0x1;
	_ =	strace $0x80000049;
	[dreg:$0x1] =	wrdreg $0xFFFFFFFF  }
0xad: {  	s28 =	simm.s32 $_size_execute0_lowered;
	s3 =	sadd.s32 s3, s5;
	[dreg:$0x0] =	wrdreg $0x0  }
0xae: {  	s5 =	sshll.u32 s28, $0x1;
	[dreg:$0x2] =	wrdreg s3  }
0xaf: {  	[dreg:$0x3] =	wrdreg s5  }
0xb0: {  	[dreg:$0x4] =	wrdreg $0xC0  }
0xb1: {  	_ =	task [dreg:s7], $0x5FFFF  }
0xb2: {  	[dreg:$0x1] =	wrdreg $0xFFFFFFFF  }
0xb3: {  	[dreg:$0x0] =	wrdreg $0x60  }
0xb4: {  	[dreg:$0x2] =	wrdreg s24  }
0xb5: {  	[dreg:$0x3] =	wrdreg s16  }
0xb6: {  	[dreg:$0x4] =	wrdreg $0x0  }
0xb7: {  	[dreg:$0x5] =	wrdreg $0x9  }
0xb8: {  	_ =	task.clear_ibuf [dreg:s7], $0x6FFFF;
	_ =	strace $0x90000049  }
0xb9: {  	s29 =	simm.s32 $0x9;
	_ =	strace $0x8000004B  }
0xba: {  	_ =	swait.ge [sflag:s29], $0x1  }
0xbb: {  	[sflag:s29] =	ssyncadd.s32 $0xFFFFFFFF  }
0xbc: {  	_ =	strace $0x9000004B  }
0xbd: {  	_ =	sfence  }
0xbe: {  	s30 =	sld [smem:$0x0];
	_ =	sdelay $0x2  }
0xbf: {  	s31 =	sshll.u32 s1, $0xD;
	s1 =	sshrl.u32 s1, $0x2  }
0xc0: {  	s3 =	sand.u32 $0x4000, s31;
	s1 =	sadd.s32 s1, s30  }
0xc1: {  	s0 =	sor.u32 s3, s0;
	s1 =	sshll.u32 s1, $0x11  }
0xc2: {  	s0 =	sor.u32 s1, s0  }
0xc3: {  	s0 =	sadd.s32 $0x8F2B, s0  }
0xc4: {  	[sflag:s0] =	ssyncadd.remote.s32 $0x1  }
0xc5: {  	_ =	sfence.sel $0xFFFF  }
0xc6: {  	[dreg:$0x0] =	wrdreg $0xFFFFFFFF;
	(pc) =	sbr.abs _section_cstart, $3  }
0xc7: {  	[dreg:$0x1] =	wrdreg $0xFFFFFFFF  }
0xc8: {  	_ =	task.clear_ibuf [dreg:s7], $0x2FFFF;
	_ =	strace $0x9FFFFFFF  }
0xc9: {  	(tm) =	ssettm $0x7FFFFFFF  }
tec
execute0_lowered:
.L_overlay_start_1:
0x0: {  	(tag) =	ssettag $0x1  }
0x1: {  	s6 =	rddreg [dreg:$0x0]  }
0x2: {  	s1 =	rddreg [dreg:$0x1]  }
0x3: {  	s2 =	rddreg [dreg:$0x2];
	s3 =	srdreg.scid  }
0x4: {  	s0 =	rddreg [dreg:$0x3];
	s4 =	simm.s32 $0x0;
	s13 =	simm.s32 $0x3  }
0x5: {  	s14 =	simm.s32 $0x15F90;
	s15 =	simm.s32 $0x186A0;
	s16 =	simm.s32 $0x50  }
0x6: {  	s17 =	simm.s32 $0x1AEA0;
	s18 =	simm.s32 $0x1;
	s19 =	simm.s32 $0x2  }
0x7: {  	s20 =	simm.s32 $0x18650;
	s7 =	sand.u32 $0x1, s3;
	s3 =	stileid.u32  }
0x8: {  	s22 =	simm.s32 $0x0;
	[smem:$0x7FF] =	sst s4;
	s9 =	smul.u32 $0x27100, s7  }
0x9: {  	s5 =	sshll.u32 s7, $0x4;
	_ =	strace $0x8000004A;
	s11 =	smul.u32 $0xA000, s3  }
0xa: {  	s7 =	ssub.s32 $0x2, s7;
	s12 =	smul.u32 $0x500, s3;
	s31 =	ssub.s32 $0x8C, s3  }
0xb: {  	s21 =	sshll.u32 s3, $0x6;
	s5 =	sor.u32 s3, s5;
	s10 =	sshrl.u32 s7, $0x1  }
0xc: {  	s21 =	sor.u32 $0x1C03, s21;
	s8 =	smul.u32 $0x4E2, s5;
	s5 =	sadd.s32 $0x16400, s6  }
0xd: {  	s9 =	sadd.s32 s9, s6;
	s10 =	ssub.s32 s7, s10;
	s11 =	sshrl.u32 s11, $0x2  }
0xe: {  	s12 =	sadd.s32 s12, s9;
	s9 =	smax.u32 s10, $0x1;
	s10 =	sadd.s32 s11, s2  }
0xf: {  	s8 =	sadd.s32 s8, s6;
	s11 =	sadd.s32 $0x64800, s12;
	s12 =	simm.s32 $0x13880  }
0x10: {  	s6 =	sadd.s32 $0xC600, s8;
	s7 =	sadd.s32 $0x2800, s8;
	s8 =	sshrl.u32 s31, $0x4  }
.LBB2_1:
0x11: {  	[tilespmem:s12], [sflag:$0x3] =	stream.linear.gather [hbm4b:s6+s4], $0x2710, $0x38;
	[tilespmem:$0x1D6A0] =	vst v63  }
0x12: {  	_ =	swait.ge [sflag:s13], $0x2710  }
0x13: {  	[sflag:s13] =	ssyncset.done $0x0  }
0x14: {  	[sflag:s13] =	ssyncadd.s32 $0xFFFFD8F0  }
0x15: {  	[tilespmem:s14], [sflag:$0x3] =	stream.linear.gather [hbm4b:s7+s4], $0x2710, $0x38;
	[tilespmem:$0x1D6A0] =	vst v63  }
0x16: {  	_ =	swait.ge [sflag:s13], $0x2710  }
0x17: {  	[sflag:s13] =	ssyncset.done $0x0  }
0x18: {  	[sflag:s13] =	ssyncadd.s32 $0xFFFFD8F0  }
0x19: {  	[tilespmem:s15], [sflag:$0x3] =	stream.linear.gather [hbm4b:s1+s4], $0x2800, $0x38;
	[tilespmem:$0x1D6A0] =	vst v63  }
0x1a: {  	p0 =	sne.s32 s8, $0x1;
	_ =	swait.ge [sflag:s13], $0x2800  }
.Ltmp0:
0x1b: {  	[sflag:s13] =	ssyncset.done $0x0;
	(pc) =	sbr.rel @!p0 .LBB2_3-.Ltmp0, $4  }
0x1c: {  	[sflag:s13] =	ssyncadd.s32 $0xFFFFD800  }
0x1d: {  	[spmem:s10] =	stream.linear.scatter [tilespmem:s15], [sflag:$0x3], $0x2800, $0x38;
	[tilespmem:$0x1D6A0] =	vst v63  }
0x1e: {  	_ =	swait.ge [sflag:s13], $0x2800  }
0x1f: {  	s23 =	sadd.s32 $0xFFFFFFFF, s8;
	s24 =	smov.u32 s10;
	[sflag:s13] =	ssyncset.done $0x0  }
.LBB2_2:
0x20: {  	p1 =	sne.s32 s23, $0x1;
	[sflag:s13] =	ssyncadd.s32 $0xFFFFD800;
	s24 =	sadd.s32 $0x28000, s24  }
.Ltmp1:
0x21: {  	s23 =	sadd.s32 $0xFFFFFFFF, s23;
	(pc) =	sbr.rel @p1 .LBB2_2-.Ltmp1, $4  }
0x22: {  	_ = 	snop  }
0x23: {  	[spmem:s24] =	stream.linear.scatter [tilespmem:s15], [sflag:$0x3], $0x2800, $0x38;
	[tilespmem:$0x1D6A0] =	vst v63  }
0x24: {  	_ =	swait.ge [sflag:s13], $0x2800  }
0x25: {  	[sflag:s13] =	ssyncset.done $0x0  }
.LBB2_3:
0x26: {  	[sflag:s13] =	ssyncadd.s32 $0xFFFFD800  }
0x27: {  	[bflag:$0x0] =	sbarrier.arrive $0xFFFF  }
0x28: {  	[tilespmem:s15], [sflag:$0x1] =	stream.indirect.gather [hbm4b:s5+s16], $0x80, s12, s16, $0xb8;
	[tilespmem:$0x1D6A0] =	vst v63  }
0x29: {  	s23 =	simm.s32 $0x138D0  }
0x2a: {  	[tilespmem:s17], [sflag:$0x2] =	stream.indirect.gather [hbm4b:s5+s16], $0x80, s23, s16, $0xb8;
	[tilespmem:$0x1D6A0] =	vst v63  }
0x2b: {  	_ =	swait.ge [sflag:s18], $0x2800  }
0x2c: {  	[sflag:s18] =	ssyncset.done $0x0  }
0x2d: {  	s29 =	simm.s32 $0x15F90;
	[sflag:s18] =	ssyncadd.s32 $0xFFFFD800  }
0x2e: {  	[spmem:s2] =	stream.indirect.scatter.add.f32 [tilespmem:s15], [sflag:$0x3], $0x80, s29, s16, $0xb8;
	[tilespmem:$0x1D6A0] =	vst v63  }
0x2f: {  	_ =	swait.ge [sflag:s13], $0x2800  }
0x30: {  	[sflag:s13] =	ssyncset.done $0x0  }
0x31: {  	s30 =	simm.s32 $0x13920;
	[sflag:s13] =	ssyncadd.s32 $0xFFFFD800  }
0x32: {  	[tilespmem:s15], [sflag:$0x1] =	stream.indirect.gather [hbm4b:s5+s16], $0x80, s30, s16, $0xb8;
	[tilespmem:$0x1D6A0] =	vst v63  }
0x33: {  	_ =	swait.ge [sflag:s19], $0x2800  }
0x34: {  	[sflag:s19] =	ssyncset.done $0x0  }
0x35: {  	s31 =	simm.s32 $0x15FE0;
	[sflag:s19] =	ssyncadd.s32 $0xFFFFD800  }
0x36: {  	[spmem:s2] =	stream.indirect.scatter.add.f32 [tilespmem:s17], [sflag:$0x3], $0x80, s31, s16, $0xb8;
	[tilespmem:$0x1D6A0] =	vst v63  }
0x37: {  	_ =	swait.ge [sflag:s13], $0x2800  }
0x38: {  	s24 =	simm.s32 $0x500;
	s23 =	simm.s32 $0xA0;
	[sflag:s13] =	ssyncset.done $0x0  }
.LBB2_4:
0x39: {  	s25 =	sadd.s32 $0x138D0, s23  }
0x3a: {  	[sflag:s13] =	ssyncadd.s32 $0xFFFFD800;
	s26 =	smov.u32 s24;
	s28 =	sadd.s32 $0x280, s24  }
0x3b: {  	[tilespmem:s17], [sflag:$0x2] =	stream.indirect.gather [hbm4b:s5+s16], $0x80, s25, s16, $0xb8;
	[tilespmem:$0x1D6A0] =	vst v63  }
0x3c: {  	p1 =	sne.s32 s24, $0x9880;
	_ =	swait.ge [sflag:s18], $0x2800  }
0x3d: {  	[sflag:s18] =	ssyncset.done $0x0  }
0x3e: {  	s24 =	sadd.s32 $0x15F90, s23;
	[sflag:s18] =	ssyncadd.s32 $0xFFFFD800  }
0x3f: {  	[spmem:s2] =	stream.indirect.scatter.add.f32 [tilespmem:s15], [sflag:$0x3], $0x80, s24, s16, $0xb8;
	[tilespmem:$0x1D6A0] =	vst v63  }
0x40: {  	_ =	swait.ge [sflag:s13], $0x2800  }
0x41: {  	[sflag:s13] =	ssyncset.done $0x0  }
0x42: {  	s24 =	sadd.s32 $0x13920, s23;
	[sflag:s13] =	ssyncadd.s32 $0xFFFFD800  }
0x43: {  	[tilespmem:s15], [sflag:$0x1] =	stream.indirect.gather [hbm4b:s5+s16], $0x80, s24, s16, $0xb8;
	[tilespmem:$0x1D6A0] =	vst v63  }
0x44: {  	_ =	swait.ge [sflag:s19], $0x2800  }
.Ltmp2:
0x45: {  	[sflag:s19] =	ssyncset.done $0x0;
	(pc) =	sbr.rel @p1 .LBB2_4-.Ltmp2, $4  }
0x46: {  	s23 =	sadd.s32 $0x15FE0, s23;
	[sflag:s19] =	ssyncadd.s32 $0xFFFFD800  }
0x47: {  	[spmem:s2] =	stream.indirect.scatter.add.f32 [tilespmem:s17], [sflag:$0x3], $0x80, s23, s16, $0xb8;
	[tilespmem:$0x1D6A0] =	vst v63  }
0x48: {  	_ =	swait.ge [sflag:s13], $0x2800  }
0x49: {  	s24 =	smov.u32 s28;
	s23 =	sshra.s32 s26, $0x2;
	[sflag:s13] =	ssyncset.done $0x0  }
0x4a: {  	s24 =	sadd.s32 $0x138D0, s23;
	[sflag:s13] =	ssyncadd.s32 $0xFFFFD800  }
0x4b: {  	[tilespmem:s17], [sflag:$0x2] =	stream.indirect.gather [hbm4b:s5+s16], $0x80, s24, s16, $0xb8;
	[tilespmem:$0x1D6A0] =	vst v63  }
0x4c: {  	_ =	swait.ge [sflag:s18], $0x2800  }
0x4d: {  	[sflag:s18] =	ssyncset.done $0x0  }
0x4e: {  	s28 =	sadd.s32 $0x15F90, s23;
	[sflag:s18] =	ssyncadd.s32 $0xFFFFD800  }
0x4f: {  	[spmem:s2] =	stream.indirect.scatter.add.f32 [tilespmem:s15], [sflag:$0x3], $0x80, s28, s16, $0xb8;
	[tilespmem:$0x1D6A0] =	vst v63  }
0x50: {  	_ =	swait.ge [sflag:s13], $0x2800  }
0x51: {  	[sflag:s13] =	ssyncset.done $0x0  }
0x52: {  	s29 =	sadd.s32 $0x13920, s23;
	[sflag:s13] =	ssyncadd.s32 $0xFFFFD800  }
0x53: {  	[tilespmem:s15], [sflag:$0x1] =	stream.indirect.gather [hbm4b:s5+s16], $0x80, s29, s16, $0xb8;
	[tilespmem:$0x1D6A0] =	vst v63  }
0x54: {  	_ =	swait.ge [sflag:s19], $0x2800  }
0x55: {  	[sflag:s19] =	ssyncset.done $0x0  }
0x56: {  	s30 =	sadd.s32 $0x15FE0, s23;
	[sflag:s19] =	ssyncadd.s32 $0xFFFFD800  }
0x57: {  	[spmem:s2] =	stream.indirect.scatter.add.f32 [tilespmem:s17], [sflag:$0x3], $0x80, s30, s16, $0xb8;
	[tilespmem:$0x1D6A0] =	vst v63  }
0x58: {  	_ =	swait.ge [sflag:s13], $0x2800  }
0x59: {  	[sflag:s13] =	ssyncset.done $0x0  }
0x5a: {  	[sflag:s13] =	ssyncadd.s32 $0xFFFFD800  }
0x5b: {  	_ =	swait.ge [sflag:s18], $0x2800  }
0x5c: {  	[sflag:s18] =	ssyncset.done $0x0  }
0x5d: {  	[sflag:s18] =	ssyncadd.s32 $0xFFFFD800  }
0x5e: {  	[spmem:s2] =	stream.indirect.scatter.add.f32 [tilespmem:s15], [sflag:$0x3], $0x80, s20, s16, $0xb8;
	[tilespmem:$0x1D6A0] =	vst v63  }
0x5f: {  	_ =	swait.ge [sflag:s13], $0x2800  }
0x60: {  	[sflag:s13] =	ssyncset.done $0x0  }
.Ltmp3:
0x61: {  	[sflag:s13] =	ssyncadd.s32 $0xFFFFD800;
	(pc) =	sbr.rel @!p0 .LBB2_7-.Ltmp3, $4  }
0x62: {  	s31 =	sshrl.u32 s10, $0x3;
	[bflag:$0x0] =	sbarrier.arrive $0xFFFF  }
0x63: {  	[hbm:s11], [sflag:s21] =	dma.local [spmem:s31], $0x500  }
0x64: {  	s23 =	sadd.s32 $0xFFFFFFFF, s8;
	_ =	swait.ge [sflag:s13], $0x500  }
0x65: {  	s25 =	smov.u32 s11;
	s24 =	sadd.s32 $0x28000, s10;
	[sflag:s13] =	ssyncset.done $0x0  }
.LBB2_6:
0x66: {  	s26 =	sshrl.u32 s24, $0x3  }
0x67: {  	[sflag:s13] =	ssyncadd.s32 $0xFFFFFB00;
	s25 =	sadd.s32 $0x5000, s25;
	p0 =	sne.s32 s23, $0x1  }
0x68: {  	[hbm:s25], [sflag:s21] =	dma.local [spmem:s26], $0x500  }
.Ltmp4:
0x69: {  	_ = 	snop;
	(pc) =	sbr.rel @p0 .LBB2_6-.Ltmp4, $4  }
0x6a: {  	_ = 	snop  }
0x6b: {  	s23 =	sadd.s32 $0xFFFFFFFF, s23  }
0x6c: {  	_ =	swait.ge [sflag:s13], $0x500  }
0x6d: {  	s24 =	sadd.s32 $0x28000, s24;
	[sflag:s13] =	ssyncset.done $0x0  }
.LBB2_7:
0x6e: {  	s22 =	sadd.s32 $0x1, s22  }
0x6f: {  	p0 =	sne.s32 s22, s9  }
.Ltmp5:
0x70: {  	_ = 	snop;
	(pc) =	sbr.rel @p0 .LBB2_1-.Ltmp5, $2  }
0x71: {  	_ =	sdelay $0x2  }
0x72: {  	[sflag:s13] =	ssyncadd.s32 $0xFFFFFB00  }
0x73: {  	_ =	sfence.sel $0x180000  }
0x74: {  	[bflag:$0x0] =	sbarrier.arrive $0xFFFF  }
0x75: {  	p0 =	sne.s32 s3, $0x0;
	_ =	strace $0x9000004A  }
0x76: {  	s0 =	sadd.s32 @!p0 $0x100000, s0;
	[bflag:$0x2] =	sbarrier.arrive $0xFFFF  }
0x77: {  	[sflag:s0] =	ssyncadd.tile.s32 @!p0 $0x1;
	_ =	shalt  }
.Lfunc_end2:
_tile_overlayer_lowered:
.L_overlay_start_2:
0x78: {  	(tag) =	ssettag $0x2  }
0x79: {  	s0 =	rddreg [dreg:$0x0];
	s2 =	stileid.u32  }
0x7a: {  	s1 =	rddreg [dreg:$0x1];
	p0 =	sne.s32 s2, $0x0  }
0x7b: {  	s3 =	rddreg [dreg:$0x2];
	[bflag:$0x3] =	sbarrier.arrive $0xFFFF;
	s2 =	simm.s32 @!p0 $0x1C03  }
0x7c: {  	[timem:s3], [sflag:s2] =	dma.local @!p0 [hbm:s0], s1  }
0x7d: {  	s0 =	simm.s32 @!p0 $0x3  }
0x7e: {  	_ =	swait.ge @!p0 [sflag:s0], s1  }
0x7f: {  	s1 =	ssub.s32 @!p0 $0x0, s1;
	[sflag:s0] =	ssyncset.done @!p0 $0x0  }
0x80: {  	[sflag:s0] =	ssyncadd.s32 @!p0 s1  }
0x81: {  	[bflag:$0x3] =	sbarrier.arrive $0xFFFF  }
0x82: {  	_ =	shalt  }

// kernel: kernel.13.cloned.1.call-start
scs
__scs_entry_jumppad:
0x0: {  	(pc) =	sbr.rel $0x88, $3  }
0x1: {  	(tag) =	ssettag $0x0;
	lr =	simm.s32 $0x1  }
0x2: {  	[smem:$0x3F95] =	sst lr;
	_ =	strace $0xD0000000  }
0x3: {  	_ = 	snop  }
0x4: {  	_ = 	snop  }
0x5: {  	_ = 	snop  }
0x6: {  	_ = 	snop  }
0x7: {  	_ = 	snop  }
__scs_overlays_trampoline_lowered:
0x8: {  	[smem:$0x3FA4] =	sst s0  }
0x9: {  	[smem:$0x3FA5] =	sst s1  }
0xa: {  	[smem:$0x3FA6] =	sst s2  }
0xb: {  	[smem:$0x3FA7] =	sst s3  }
0xc: {  	[smem:$0x3FA8] =	sst s4  }
0xd: {  	[smem:$0x3FA9] =	sst s5  }
0xe: {  	[smem:$0x3FAA] =	sst s6  }
0xf: {  	[smem:$0x3FAB] =	sst s7  }
0x10: {  	[smem:$0x3FAC] =	sst s8  }
0x11: {  	[smem:$0x3FAD] =	sst s9;
	s0 =	simm.s32 @!p0 $0x0  }
0x12: {  	s1 =	sld [smem:$0x3F93];
	s0 =	simm.s32 @p0 $0x1  }
0x13: {  	[smem:$0x3FAE] =	sst s0;
	s0 =	simm.s32 @!p1 $0x0  }
0x14: {  	s2 =	sld [smem:$0x3F92];
	s0 =	simm.s32 @p1 $0x1  }
0x15: {  	[smem:$0x3FAF] =	sst s0;
	s0 =	simm.s32 @!p2 $0x0  }
0x16: {  	s3 =	sld [smem:$0x3FDB];
	s0 =	simm.s32 @p2 $0x1  }
0x17: {  	s4 =	simm.s32 $0x1BF5;
	[smem:$0x3FB1] =	sst s0  }
0x18: {  	s0 =	sld [smem:$0x3F94];
	_ =	swait.ge [sflag:s4], $0x0  }
0x19: {  	s7 =	sld [smem:$0x3F95]  }
0x1a: {  	s8 =	sadd.s32 $0xFFFFE003, lr  }
0x1b: {  	s9 =	sadd.s32 $0xFFFFFEF7, lr;
	s5 =	simm.s32 $0xFFFFFFFF;
	p2 =	slt.u32 s8, $0xFFFFF086  }
0x1c: {  	p1 =	slt.u32 s9, $0xF7A;
	s5 =	simm.s32 @!p2 $0x0  }
0x1d: {  	s5 =	simm.s32 @p1 $0x1;
	p0 =	seq.s32 s7, s2  }
0x1e: {  	s7 =	smul.u32 @!p0 $0xF7A, s2;
	p2 =	seq.s32 @!p0 s5, $0x0  }
0x1f: {  	s9 =	smul.u32 $0xF7A, s1;
	s8 =	simm.s32 @!p0 $0x1BF5;
	p2 =	por !p2, p0  }
0x20: {  	[sflag:s8] =	ssyncset.s32 @!p0 $0xFFFFF086;
	s6 =	sadd.s32 @!p0 s3, s7;
	s7 =	simm.s32 @!p0 $0x108  }
0x21: {  	s3 =	sadd.s32 s3, s9;
	s6 =	sadd.s32 @!p0 $0x88, s6;
	s7 =	simm.s32 @p2 $0x1082  }
0x22: {  	[simem:s7], [sflag:s8] =	dma.local @!p0 [hbm:s6], $0xF7A  }
0x23: {  	s9 =	sor.u32 $0xD0000000, s2;
	s6 =	simm.s32 $0x108;
	_ =	swait.ge @!p0 [sflag:s8], $0x0  }
0x24: {  	s3 =	sadd.s32 $0x88, s3;
	s6 =	simm.s32 @!p1 $0x1082;
	[sflag:s4] =	ssyncset.s32 $0xFFFFF086  }
0x25: {  	[simem:s6], [sflag:s4] =	dma.local [hbm:s3], $0xF7A  }
0x26: {  	[smem:$0x3F95] =	sst s1;
	(tag) =	ssettag s2;
	_ =	strace s9  }
0x27: {  	s1 =	sld [smem:$0x3FA5]  }
0x28: {  	s2 =	sld [smem:$0x3FA6]  }
0x29: {  	s4 =	sld [smem:$0x3FA8]  }
0x2a: {  	p0 =	seq.s32 s5, $0x0;
	s5 =	sld [smem:$0x3FA9]  }
0x2b: {  	s6 =	sld [smem:$0x3FAA]  }
0x2c: {  	s7 =	sld [smem:$0x3FAB]  }
0x2d: {  	s3 =	simm.s32 $0x108;
	s8 =	sld [smem:$0x3FAC]  }
0x2e: {  	s3 =	simm.s32 @!p0 $0x1082;
	s9 =	sld [smem:$0x3FAD]  }
0x2f: {  	lr =	sadd.s32 s0, s3;
	s0 =	sld [smem:$0x3FA4]  }
0x30: {  	s3 =	sld [smem:$0x3FA7]  }
0x31: {  	[smem:$0x3FB0] =	sst s10  }
0x32: {  	s10 =	sld [smem:$0x3FAE];
	_ =	sdelay $0x3  }
0x33: {  	p0 =	seq.s32 s10, $0x1;
	s10 =	sld [smem:$0x3FB0];
	_ =	sdelay $0x3  }
0x34: {  	[smem:$0x3FB0] =	sst s10  }
0x35: {  	s10 =	sld [smem:$0x3FAF];
	_ =	sdelay $0x3  }
0x36: {  	p1 =	seq.s32 s10, $0x1;
	s10 =	sld [smem:$0x3FB0];
	_ =	sdelay $0x3  }
0x37: {  	[smem:$0x3FB0] =	sst s10  }
0x38: {  	s10 =	sld [smem:$0x3FB1]  }
0x39: {  	_ = 	snop;
	(pc) =	sbr.ind lr, $3  }
0x3a: {  	_ = 	snop  }
0x3b: {  	_ = 	snop  }
0x3c: {  	p2 =	seq.s32 s10, $0x1;
	s10 =	sld [smem:$0x3FB0]  }
0x3d: {  	_ =	shalt  }
0x3e: {  	_ =	shalt  }
0x3f: {  	_ =	shalt  }
0x40: {  	_ =	shalt  }
0x41: {  	_ =	shalt  }
0x42: {  	_ =	shalt  }
0x43: {  	_ =	shalt  }
0x44: {  	_ =	shalt  }
0x45: {  	_ =	shalt  }
0x46: {  	_ =	shalt  }
0x47: {  	_ =	shalt  }
0x48: {  	_ =	shalt  }
0x49: {  	_ =	shalt  }
0x4a: {  	_ =	shalt  }
0x4b: {  	_ =	shalt  }
0x4c: {  	_ =	shalt  }
0x4d: {  	_ =	shalt  }
0x4e: {  	_ =	shalt  }
0x4f: {  	_ =	shalt  }
0x50: {  	_ =	shalt  }
0x51: {  	_ =	shalt  }
0x52: {  	_ =	shalt  }
0x53: {  	_ =	shalt  }
0x54: {  	_ =	shalt  }
0x55: {  	_ =	shalt  }
0x56: {  	_ =	shalt  }
0x57: {  	_ =	shalt  }
0x58: {  	_ =	shalt  }
0x59: {  	_ =	shalt  }
0x5a: {  	_ =	shalt  }
0x5b: {  	_ =	shalt  }
0x5c: {  	_ =	shalt  }
0x5d: {  	_ =	shalt  }
0x5e: {  	_ =	shalt  }
0x5f: {  	_ =	shalt  }
0x60: {  	_ =	shalt  }
0x61: {  	_ =	shalt  }
0x62: {  	_ =	shalt  }
0x63: {  	_ =	shalt  }
0x64: {  	_ =	shalt  }
0x65: {  	_ =	shalt  }
0x66: {  	_ =	shalt  }
0x67: {  	_ =	shalt  }
0x68: {  	_ =	shalt  }
0x69: {  	_ =	shalt  }
0x6a: {  	_ =	shalt  }
0x6b: {  	_ =	shalt  }
0x6c: {  	_ =	shalt  }
0x6d: {  	_ =	shalt  }
0x6e: {  	_ =	shalt  }
0x6f: {  	_ =	shalt  }
0x70: {  	_ =	shalt  }
0x71: {  	_ =	shalt  }
0x72: {  	_ =	shalt  }
0x73: {  	_ =	shalt  }
0x74: {  	_ =	shalt  }
0x75: {  	_ =	shalt  }
0x76: {  	_ =	shalt  }
0x77: {  	_ =	shalt  }
0x78: {  	_ =	shalt  }
0x79: {  	_ =	shalt  }
0x7a: {  	_ =	shalt  }
0x7b: {  	_ =	shalt  }
0x7c: {  	_ =	shalt  }
0x7d: {  	_ =	shalt  }
0x7e: {  	_ =	shalt  }
0x7f: {  	_ =	shalt  }
0x80: {  	_ =	shalt  }
0x81: {  	_ =	shalt  }
0x82: {  	_ =	shalt  }
0x83: {  	_ =	shalt  }
0x84: {  	_ =	shalt  }
0x85: {  	_ =	shalt  }
0x86: {  	_ =	shalt  }
0x87: {  	_ =	shalt  }
.Lfunc_end0:
.L_simem_size_0:
called_computation.2_lowered:
.L_overlay_start_0:
0x88: {  	s2 =	sld [smem:$0x3FD9]  }
0x89: {  	s3 =	sld [smem:$0x3FFE];
	_ =	sdelay $0x1  }
0x8a: {  	s1 =	srdreg.scid  }
0x8b: {  	s0 =	sand.u32 $0x1, s1  }
0x8c: {  	s14 =	sshll.u32 s0, $0xA;
	s2 =	sadd.s32 s3, s2  }
0x8d: {  	s2 =	sadd.s32 s2, s14  }
0x8e: {  	[smem:$0x3FBC] =	sst s2  }
0x8f: {  	_ = 	snop  }
0x90: {  	s2 =	sld [smem:$0x3FD0];
	_ =	sdelay $0x2  }
0x91: {  	s15 =	simm.s32 $0xA;
	s4 =	simm.s32 $0x10  }
0x92: {  	[smem:s4], [sflag:s15] =	dma.local [hbm:s2], $0x1  }
0x93: {  	_ =	swait.eq [sflag:s15], $0x1  }
0x94: {  	[sflag:s15] =	ssyncset.done $0x0  }
0x95: {  	s16 =	sld [smem:$0x10];
	[sflag:s15] =	ssyncadd.s32 $0xFFFFFFFF  }
0x96: {  	s17 =	sld [smem:$0x11];
	(tm) =	ssettm $0x1  }
0x97: {  	s18 =	sld [smem:$0x3FFB];
	_ =	sdelay $0x3  }
0x98: {  	_ =	strace s18  }
0x99: {  	s4 =	sld [smem:$0x3FFC];
	_ =	sdelay $0x3  }
0x9a: {  	_ =	strace s4  }
0x9b: {  	s4 =	sld [smem:$0x3FFD];
	_ =	sdelay $0x3  }
0x9c: {  	_ =	strace s4  }
0x9d: {  	_ =	strace $0x8FFFFFFF  }
0x9e: {  	s19 =	sld [smem:$0x3FDB];
	_ =	sdelay $0x1  }
0x9f: {  	s5 =	simm.s32 $_scs_section_size  }
0xa0: {  	s6 =	simm.s32 $_size__tile_overlayer_lowered;
	s7 =	simm.s32 $_tile_overlayer_lowered  }
0xa1: {  	s22 =	simm.s32 $0x1BFF;
	s21 =	sshll.u32 s7, $0x1;
	s4 =	sadd.s32 s5, s19  }
0xa2: {  	s8 =	simm.s32 $0x0;
	s20 =	sshll.u32 s6, $0x1;
	s6 =	sadd.s32 s21, s4  }
0xa3: {  	[timem:s8], [sflag:s22] =	dma.local [hbm:s6], s20  }
0xa4: {  	_ =	swait.ge [sflag:s22], s20  }
0xa5: {  	s5 =	ssub.s32 $0x0, s20;
	[sflag:s22] =	ssyncset.done $0x0  }
0xa6: {  	[sflag:s22] =	ssyncadd.s32 s5;
	_ =	sdelay $0x1  }
0xa7: {  	s23 =	simm.s32 $0x1B8B  }
0xa8: {  	_ =	swait.ge [sflag:s23], $0x1  }
0xa9: {  	[sflag:s23] =	ssyncset.done $0x0  }
0xaa: {  	s25 =	simm.s32 $0x1B8E;
	s24 =	sld [smem:$0x3FFE];
	[sflag:s23] =	ssyncadd.s32 $0xFFFFFFFF  }
0xab: {  	s26 =	simm.s32 $execute0_lowered;
	[smem:$0x3FD2] =	sst s25  }
0xac: {  	s6 =	sshll.u32 s26, $0x1;
	_ =	strace $0x8000004C;
	[dreg:$0x1] =	wrdreg $0xFFFFFFFF  }
0xad: {  	s28 =	simm.s32 $_size_execute0_lowered;
	s4 =	sadd.s32 s4, s6;
	[dreg:$0x0] =	wrdreg $0x0  }
0xae: {  	s6 =	sshll.u32 s28, $0x1;
	[dreg:$0x2] =	wrdreg s4  }
0xaf: {  	[dreg:$0x3] =	wrdreg s6  }
0xb0: {  	[dreg:$0x4] =	wrdreg $0xC0  }
0xb1: {  	_ =	task [dreg:s8], $0x5FFFF  }
0xb2: {  	[dreg:$0x1] =	wrdreg $0xFFFFFFFF  }
0xb3: {  	[dreg:$0x0] =	wrdreg $0x60  }
0xb4: {  	[dreg:$0x2] =	wrdreg s24  }
0xb5: {  	[dreg:$0x3] =	wrdreg s16  }
0xb6: {  	[dreg:$0x4] =	wrdreg s17  }
0xb7: {  	[dreg:$0x5] =	wrdreg $0x9  }
0xb8: {  	_ =	task.clear_ibuf [dreg:s8], $0x6FFFF;
	_ =	strace $0x9000004C  }
0xb9: {  	s29 =	simm.s32 $0x9;
	_ =	strace $0x8000004E  }
0xba: {  	_ =	swait.ge [sflag:s29], $0x1  }
0xbb: {  	[sflag:s29] =	ssyncadd.s32 $0xFFFFFFFF  }
0xbc: {  	_ =	strace $0x9000004E  }
0xbd: {  	_ =	sfence  }
0xbe: {  	s30 =	sld [smem:$0x0];
	_ =	sdelay $0x2  }
0xbf: {  	s31 =	sshll.u32 s1, $0xD;
	s1 =	sshrl.u32 s1, $0x2  }
0xc0: {  	s3 =	sand.u32 $0x4000, s31;
	s1 =	sadd.s32 s1, s30  }
0xc1: {  	s0 =	sor.u32 s3, s0;
	s1 =	sshll.u32 s1, $0x11  }
0xc2: {  	s0 =	sor.u32 s1, s0  }
0xc3: {  	s0 =	sadd.s32 $0x8F2B, s0  }
0xc4: {  	[sflag:s0] =	ssyncadd.remote.s32 $0x1  }
0xc5: {  	_ =	sfence.sel $0xFFFF  }
0xc6: {  	[dreg:$0x0] =	wrdreg $0xFFFFFFFF;
	(pc) =	sbr.abs _section_cstart, $3  }
0xc7: {  	[dreg:$0x1] =	wrdreg $0xFFFFFFFF  }
0xc8: {  	_ =	task.clear_ibuf [dreg:s8], $0x2FFFF;
	_ =	strace $0x9FFFFFFF  }
0xc9: {  	(tm) =	ssettm $0x7FFFFFFF  }
tec
execute0_lowered:
.L_overlay_start_1:
0x0: {  	(tag) =	ssettag $0x1  }
0x1: {  	s4 =	rddreg [dreg:$0x0]  }
0x2: {  	s7 =	rddreg [dreg:$0x1]  }
0x3: {  	s10 =	rddreg [dreg:$0x2]  }
0x4: {  	s0 =	rddreg [dreg:$0x3];
	s3 =	srdreg.scid  }
0x5: {  	s2 =	simm.s32 $0x0;
	s1 =	stileid.u32;
	s13 =	simm.s32 $0x2710  }
0x6: {  	s14 =	simm.s32 $0x4E20;
	s15 =	simm.s32 $0x5620;
	s16 =	simm.s32 $0x5E20  }
0x7: {  	s17 =	simm.s32 $0x0;
	s3 =	sand.u32 $0x1, s3;
	[smem:$0x7FF] =	sst s2  }
0x8: {  	s6 =	sshll.u32 s1, $0x8;
	s5 =	sshll.u32 s3, $0xC;
	_ =	strace $0x8000004D  }
0x9: {  	s30 =	ssub.s32 $0x2, s3;
	s3 =	sadd.s32 $0x2E00, s4;
	s11 =	sor.u32 s6, s5  }
0xa: {  	s31 =	sshrl.u32 s30, $0x1;
	s9 =	sadd.s32 s11, s4;
	s4 =	sadd.s32 $0x2800, s4  }
0xb: {  	s12 =	ssub.s32 s30, s31;
	s7 =	sadd.s32 s7, s11;
	s10 =	sadd.s32 s10, s11  }
0xc: {  	s5 =	sadd.s32 $0xB8A00, s9;
	s6 =	sadd.s32 $0xB6A00, s9;
	s8 =	sadd.s32 $0xB4A00, s9  }
0xd: {  	s9 =	sadd.s32 $0xB2A00, s9;
	s11 =	smax.u32 s12, $0x1;
	s12 =	simm.s32 $0x1  }
.LBB2_1:
0xe: {  	[tilespmem:s2], [sflag:$0x1] =	stream.linear.gather [hbm4b:s3+s2], $0x2710, $0x38;
	[tilespmem:$0x6620] =	vst v63  }
0xf: {  	_ =	swait.ge [sflag:s12], $0x2710  }
0x10: {  	[sflag:s12] =	ssyncset.done $0x0  }
0x11: {  	[sflag:s12] =	ssyncadd.s32 $0xFFFFD8F0  }
0x12: {  	[tilespmem:s13], [sflag:$0x1] =	stream.linear.gather [hbm4b:s4+s2], $0x2710, $0x38;
	[tilespmem:$0x6620] =	vst v63  }
0x13: {  	_ =	swait.ge [sflag:s12], $0x2710  }
0x14: {  	[sflag:s12] =	ssyncset.done $0x0  }
0x15: {  	[sflag:s12] =	ssyncadd.s32 $0xFFFFD8F0  }
0x16: {  	[tilespmem:s14], [sflag:$0x1] =	stream.linear.gather [hbm4b:s5+s2], $0x800, $0x38;
	[tilespmem:$0x6620] =	vst v63  }
0x17: {  	_ =	swait.ge [sflag:s12], $0x800  }
0x18: {  	[sflag:s12] =	ssyncset.done $0x0  }
0x19: {  	[sflag:s12] =	ssyncadd.s32 $0xFFFFF800  }
0x1a: {  	[tilespmem:s15], [sflag:$0x1] =	stream.linear.gather [hbm4b:s6+s2], $0x800, $0x38;
	[tilespmem:$0x6620] =	vst v63  }
0x1b: {  	_ =	swait.ge [sflag:s12], $0x800  }
0x1c: {  	[sflag:s12] =	ssyncset.done $0x0  }
0x1d: {  	s18 =	simm.s32 $0x0;
	[sflag:s12] =	ssyncadd.s32 $0xFFFFF800  }
0x1e: {  	v0 =	vld [tilespmem:s18+$0x5620]  }
0x1f: {  	v1 =	vld [tilespmem:s18+$0x4E20];
	_ =	sdelay $0x6  }
0x20: {  	v0 =	vld.idx.msk [tilespmem:v0+s13+$0x0], $0xffff  }
0x21: {  	s19 =	simm.s32 $0x10;
	v2 =	vld.idx.msk [tilespmem:v1+s2+$0x0], $0xffff  }
0x22: {  	s20 =	simm.s32 $0x80;
	v1 =	vld [tilespmem:s19+$0x5620]  }
.LBB2_2:
0x23: {  	p0 =	sne.s32 s20, $0x1FC0;
	v3 =	vld [tilespmem:s19+$0x4E20];
	_ =	sdelay $0x3  }
0x24: {  	v0 =	vadd.f32 v0, v2  }
.Ltmp0:
0x25: {  	(pc) =	sbr.rel @p0 .LBB2_2-.Ltmp0, $4  }
0x26: {  	[tilespmem:s18+$0x5E20] =	vst v0;
	s18 =	smov.u32 s19  }
0x27: {  	v0 =	vld.idx.msk [tilespmem:v1+s13+$0x0], $0xffff  }
0x28: {  	s19 =	sshra.s32 s20, $0x2;
	v2 =	vld.idx.msk [tilespmem:v3+s2+$0x0], $0xffff  }
0x29: {  	s20 =	sadd.s32 $0x40, s20;
	v1 =	vld [tilespmem:s19+$0x5620]  }
0x2a: {  	_ = 	snop  }
0x2b: {  	v3 =	vld [tilespmem:s19+$0x4E20];
	_ =	sdelay $0x3  }
0x2c: {  	v0 =	vadd.f32 v0, v2;
	_ =	sdelay $0x1  }
0x2d: {  	[tilespmem:s18+$0x5E20] =	vst v0  }
0x2e: {  	v0 =	vld.idx.msk [tilespmem:v1+s13+$0x0], $0xffff  }
0x2f: {  	v1 =	vld.idx.msk [tilespmem:v3+s2+$0x0], $0xffff;
	_ =	sdelay $0x4  }
0x30: {  	v0 =	vadd.f32 v0, v1;
	_ =	sdelay $0x1  }
0x31: {  	s31 =	simm.s32 $0x0;
	[tilespmem:s19+$0x5E20] =	vst v0  }
0x32: {  	[hbm4b:s7+s31] =	stream.linear.scatter [tilespmem:s16], [sflag:$0x1], $0x800, $0x38;
	[tilespmem:$0x6620] =	vst v63  }
0x33: {  	_ =	swait.ge [sflag:s12], $0x800  }
0x34: {  	[sflag:s12] =	ssyncset.done $0x0  }
0x35: {  	[sflag:s12] =	ssyncadd.s32 $0xFFFFF800  }
0x36: {  	[tilespmem:s14], [sflag:$0x1] =	stream.linear.gather [hbm4b:s8+s31], $0x800, $0x38;
	[tilespmem:$0x6620] =	vst v63  }
0x37: {  	_ =	swait.ge [sflag:s12], $0x800  }
0x38: {  	[sflag:s12] =	ssyncset.done $0x0  }
0x39: {  	[sflag:s12] =	ssyncadd.s32 $0xFFFFF800  }
0x3a: {  	[tilespmem:s15], [sflag:$0x1] =	stream.linear.gather [hbm4b:s9+s31], $0x800, $0x38;
	[tilespmem:$0x6620] =	vst v63  }
0x3b: {  	_ =	swait.ge [sflag:s12], $0x800  }
0x3c: {  	[sflag:s12] =	ssyncset.done $0x0  }
0x3d: {  	s18 =	simm.s32 $0x0;
	[sflag:s12] =	ssyncadd.s32 $0xFFFFF800  }
0x3e: {  	v0 =	vld [tilespmem:s18+$0x5620]  }
0x3f: {  	v1 =	vld [tilespmem:s18+$0x4E20];
	_ =	sdelay $0x6  }
0x40: {  	v0 =	vld.idx.msk [tilespmem:v0+s13+$0x0], $0xffff  }
0x41: {  	s19 =	simm.s32 $0x10;
	v2 =	vld.idx.msk [tilespmem:v1+s2+$0x0], $0xffff  }
0x42: {  	s20 =	simm.s32 $0x80;
	v1 =	vld [tilespmem:s19+$0x5620]  }
.LBB2_4:
0x43: {  	p0 =	sne.s32 s20, $0x1FC0;
	v3 =	vld [tilespmem:s19+$0x4E20];
	_ =	sdelay $0x3  }
0x44: {  	v0 =	vadd.f32 v0, v2  }
.Ltmp1:
0x45: {  	(pc) =	sbr.rel @p0 .LBB2_4-.Ltmp1, $4  }
0x46: {  	[tilespmem:s18+$0x5E20] =	vst v0;
	s18 =	smov.u32 s19  }
0x47: {  	v0 =	vld.idx.msk [tilespmem:v1+s13+$0x0], $0xffff  }
0x48: {  	s19 =	sshra.s32 s20, $0x2;
	v2 =	vld.idx.msk [tilespmem:v3+s2+$0x0], $0xffff  }
0x49: {  	s20 =	sadd.s32 $0x40, s20;
	v1 =	vld [tilespmem:s19+$0x5620]  }
0x4a: {  	_ = 	snop  }
0x4b: {  	v3 =	vld [tilespmem:s19+$0x4E20];
	_ =	sdelay $0x3  }
0x4c: {  	v0 =	vadd.f32 v0, v2;
	_ =	sdelay $0x1  }
0x4d: {  	[tilespmem:s18+$0x5E20] =	vst v0  }
0x4e: {  	v0 =	vld.idx.msk [tilespmem:v1+s13+$0x0], $0xffff  }
0x4f: {  	v63 =	vld.idx.msk [tilespmem:v3+s2+$0x0], $0xffff;
	_ =	sdelay $0x4  }
0x50: {  	s17 =	sadd.s32 $0x1, s17;
	v0 =	vadd.f32 v0, v63  }
0x51: {  	p0 =	sne.s32 s17, s11  }
.Ltmp2:
0x52: {  	[tilespmem:s19+$0x5E20] =	vst v0;
	(pc) =	sbr.rel @p0 .LBB2_1-.Ltmp2, $4  }
0x53: {  	[hbm4b:s10+s2] =	stream.linear.scatter [tilespmem:s16], [sflag:$0x1], $0x800, $0x38;
	[tilespmem:$0x6620] =	vst v63  }
0x54: {  	_ =	swait.ge [sflag:s12], $0x800  }
0x55: {  	[sflag:s12] =	ssyncset.done $0x0  }
0x56: {  	[sflag:s12] =	ssyncadd.s32 $0xFFFFF800  }
0x57: {  	_ =	sfence.sel $0x180000  }
0x58: {  	[bflag:$0x0] =	sbarrier.arrive $0xFFFF  }
0x59: {  	p0 =	sne.s32 s1, $0x0;
	_ =	strace $0x9000004D  }
0x5a: {  	s0 =	sadd.s32 @!p0 $0x100000, s0;
	[bflag:$0x2] =	sbarrier.arrive $0xFFFF  }
0x5b: {  	[sflag:s0] =	ssyncadd.tile.s32 @!p0 $0x1;
	_ =	shalt  }
.Lfunc_end2:
_tile_overlayer_lowered:
.L_overlay_start_2:
0x5c: {  	(tag) =	ssettag $0x2  }
0x5d: {  	s0 =	rddreg [dreg:$0x0];
	s2 =	stileid.u32  }
0x5e: {  	s1 =	rddreg [dreg:$0x1];
	p0 =	sne.s32 s2, $0x0  }
0x5f: {  	s3 =	rddreg [dreg:$0x2];
	[bflag:$0x3] =	sbarrier.arrive $0xFFFF;
	s2 =	simm.s32 @!p0 $0x1C01  }
0x60: {  	[timem:s3], [sflag:s2] =	dma.local @!p0 [hbm:s0], s1  }
0x61: {  	s0 =	simm.s32 @!p0 $0x1  }
0x62: {  	_ =	swait.ge @!p0 [sflag:s0], s1  }
0x63: {  	s1 =	ssub.s32 @!p0 $0x0, s1;
	[sflag:s0] =	ssyncset.done @!p0 $0x0  }
0x64: {  	[sflag:s0] =	ssyncadd.s32 @!p0 s1  }
0x65: {  	[bflag:$0x3] =	sbarrier.arrive $0xFFFF  }
0x66: {  	_ =	shalt  }

// kernel: kernel.7.cloned.1.call-start
scs
__scs_entry_jumppad:
0x0: {  	(pc) =	sbr.rel $0x88, $3  }
0x1: {  	(tag) =	ssettag $0x0;
	lr =	simm.s32 $0x1  }
0x2: {  	[smem:$0x3F95] =	sst lr;
	_ =	strace $0xD0000000  }
0x3: {  	_ = 	snop  }
0x4: {  	_ = 	snop  }
0x5: {  	_ = 	snop  }
0x6: {  	_ = 	snop  }
0x7: {  	_ = 	snop  }
__scs_overlays_trampoline_lowered:
0x8: {  	[smem:$0x3FA4] =	sst s0  }
0x9: {  	[smem:$0x3FA5] =	sst s1  }
0xa: {  	[smem:$0x3FA6] =	sst s2  }
0xb: {  	[smem:$0x3FA7] =	sst s3  }
0xc: {  	[smem:$0x3FA8] =	sst s4  }
0xd: {  	[smem:$0x3FA9] =	sst s5  }
0xe: {  	[smem:$0x3FAA] =	sst s6  }
0xf: {  	[smem:$0x3FAB] =	sst s7  }
0x10: {  	[smem:$0x3FAC] =	sst s8  }
0x11: {  	[smem:$0x3FAD] =	sst s9;
	s0 =	simm.s32 @!p0 $0x0  }
0x12: {  	s1 =	sld [smem:$0x3F93];
	s0 =	simm.s32 @p0 $0x1  }
0x13: {  	[smem:$0x3FAE] =	sst s0;
	s0 =	simm.s32 @!p1 $0x0  }
0x14: {  	s2 =	sld [smem:$0x3F92];
	s0 =	simm.s32 @p1 $0x1  }
0x15: {  	[smem:$0x3FAF] =	sst s0;
	s0 =	simm.s32 @!p2 $0x0  }
0x16: {  	s3 =	sld [smem:$0x3FDB];
	s0 =	simm.s32 @p2 $0x1  }
0x17: {  	s4 =	simm.s32 $0x1BF5;
	[smem:$0x3FB1] =	sst s0  }
0x18: {  	s0 =	sld [smem:$0x3F94];
	_ =	swait.ge [sflag:s4], $0x0  }
0x19: {  	s7 =	sld [smem:$0x3F95]  }
0x1a: {  	s8 =	sadd.s32 $0xFFFFE003, lr  }
0x1b: {  	s9 =	sadd.s32 $0xFFFFFEF7, lr;
	s5 =	simm.s32 $0xFFFFFFFF;
	p2 =	slt.u32 s8, $0xFFFFF086  }
0x1c: {  	p1 =	slt.u32 s9, $0xF7A;
	s5 =	simm.s32 @!p2 $0x0  }
0x1d: {  	s5 =	simm.s32 @p1 $0x1;
	p0 =	seq.s32 s7, s2  }
0x1e: {  	s7 =	smul.u32 @!p0 $0xF7A, s2;
	p2 =	seq.s32 @!p0 s5, $0x0  }
0x1f: {  	s9 =	smul.u32 $0xF7A, s1;
	s8 =	simm.s32 @!p0 $0x1BF5;
	p2 =	por !p2, p0  }
0x20: {  	[sflag:s8] =	ssyncset.s32 @!p0 $0xFFFFF086;
	s6 =	sadd.s32 @!p0 s3, s7;
	s7 =	simm.s32 @!p0 $0x108  }
0x21: {  	s3 =	sadd.s32 s3, s9;
	s6 =	sadd.s32 @!p0 $0x88, s6;
	s7 =	simm.s32 @p2 $0x1082  }
0x22: {  	[simem:s7], [sflag:s8] =	dma.local @!p0 [hbm:s6], $0xF7A  }
0x23: {  	s9 =	sor.u32 $0xD0000000, s2;
	s6 =	simm.s32 $0x108;
	_ =	swait.ge @!p0 [sflag:s8], $0x0  }
0x24: {  	s3 =	sadd.s32 $0x88, s3;
	s6 =	simm.s32 @!p1 $0x1082;
	[sflag:s4] =	ssyncset.s32 $0xFFFFF086  }
0x25: {  	[simem:s6], [sflag:s4] =	dma.local [hbm:s3], $0xF7A  }
0x26: {  	[smem:$0x3F95] =	sst s1;
	(tag) =	ssettag s2;
	_ =	strace s9  }
0x27: {  	s1 =	sld [smem:$0x3FA5]  }
0x28: {  	s2 =	sld [smem:$0x3FA6]  }
0x29: {  	s4 =	sld [smem:$0x3FA8]  }
0x2a: {  	p0 =	seq.s32 s5, $0x0;
	s5 =	sld [smem:$0x3FA9]  }
0x2b: {  	s6 =	sld [smem:$0x3FAA]  }
0x2c: {  	s7 =	sld [smem:$0x3FAB]  }
0x2d: {  	s3 =	simm.s32 $0x108;
	s8 =	sld [smem:$0x3FAC]  }
0x2e: {  	s3 =	simm.s32 @!p0 $0x1082;
	s9 =	sld [smem:$0x3FAD]  }
0x2f: {  	lr =	sadd.s32 s0, s3;
	s0 =	sld [smem:$0x3FA4]  }
0x30: {  	s3 =	sld [smem:$0x3FA7]  }
0x31: {  	[smem:$0x3FB0] =	sst s10  }
0x32: {  	s10 =	sld [smem:$0x3FAE];
	_ =	sdelay $0x3  }
0x33: {  	p0 =	seq.s32 s10, $0x1;
	s10 =	sld [smem:$0x3FB0];
	_ =	sdelay $0x3  }
0x34: {  	[smem:$0x3FB0] =	sst s10  }
0x35: {  	s10 =	sld [smem:$0x3FAF];
	_ =	sdelay $0x3  }
0x36: {  	p1 =	seq.s32 s10, $0x1;
	s10 =	sld [smem:$0x3FB0];
	_ =	sdelay $0x3  }
0x37: {  	[smem:$0x3FB0] =	sst s10  }
0x38: {  	s10 =	sld [smem:$0x3FB1]  }
0x39: {  	_ = 	snop;
	(pc) =	sbr.ind lr, $3  }
0x3a: {  	_ = 	snop  }
0x3b: {  	_ = 	snop  }
0x3c: {  	p2 =	seq.s32 s10, $0x1;
	s10 =	sld [smem:$0x3FB0]  }
0x3d: {  	_ =	shalt  }
0x3e: {  	_ =	shalt  }
0x3f: {  	_ =	shalt  }
0x40: {  	_ =	shalt  }
0x41: {  	_ =	shalt  }
0x42: {  	_ =	shalt  }
0x43: {  	_ =	shalt  }
0x44: {  	_ =	shalt  }
0x45: {  	_ =	shalt  }
0x46: {  	_ =	shalt  }
0x47: {  	_ =	shalt  }
0x48: {  	_ =	shalt  }
0x49: {  	_ =	shalt  }
0x4a: {  	_ =	shalt  }
0x4b: {  	_ =	shalt  }
0x4c: {  	_ =	shalt  }
0x4d: {  	_ =	shalt  }
0x4e: {  	_ =	shalt  }
0x4f: {  	_ =	shalt  }
0x50: {  	_ =	shalt  }
0x51: {  	_ =	shalt  }
0x52: {  	_ =	shalt  }
0x53: {  	_ =	shalt  }
0x54: {  	_ =	shalt  }
0x55: {  	_ =	shalt  }
0x56: {  	_ =	shalt  }
0x57: {  	_ =	shalt  }
0x58: {  	_ =	shalt  }
0x59: {  	_ =	shalt  }
0x5a: {  	_ =	shalt  }
0x5b: {  	_ =	shalt  }
0x5c: {  	_ =	shalt  }
0x5d: {  	_ =	shalt  }
0x5e: {  	_ =	shalt  }
0x5f: {  	_ =	shalt  }
0x60: {  	_ =	shalt  }
0x61: {  	_ =	shalt  }
0x62: {  	_ =	shalt  }
0x63: {  	_ =	shalt  }
0x64: {  	_ =	shalt  }
0x65: {  	_ =	shalt  }
0x66: {  	_ =	shalt  }
0x67: {  	_ =	shalt  }
0x68: {  	_ =	shalt  }
0x69: {  	_ =	shalt  }
0x6a: {  	_ =	shalt  }
0x6b: {  	_ =	shalt  }
0x6c: {  	_ =	shalt  }
0x6d: {  	_ =	shalt  }
0x6e: {  	_ =	shalt  }
0x6f: {  	_ =	shalt  }
0x70: {  	_ =	shalt  }
0x71: {  	_ =	shalt  }
0x72: {  	_ =	shalt  }
0x73: {  	_ =	shalt  }
0x74: {  	_ =	shalt  }
0x75: {  	_ =	shalt  }
0x76: {  	_ =	shalt  }
0x77: {  	_ =	shalt  }
0x78: {  	_ =	shalt  }
0x79: {  	_ =	shalt  }
0x7a: {  	_ =	shalt  }
0x7b: {  	_ =	shalt  }
0x7c: {  	_ =	shalt  }
0x7d: {  	_ =	shalt  }
0x7e: {  	_ =	shalt  }
0x7f: {  	_ =	shalt  }
0x80: {  	_ =	shalt  }
0x81: {  	_ =	shalt  }
0x82: {  	_ =	shalt  }
0x83: {  	_ =	shalt  }
0x84: {  	_ =	shalt  }
0x85: {  	_ =	shalt  }
0x86: {  	_ =	shalt  }
0x87: {  	_ =	shalt  }
.Lfunc_end0:
.L_simem_size_0:
called_computation_lowered:
.L_overlay_start_0:
0x88: {  	s2 =	sld [smem:$0x3FD9]  }
0x89: {  	s3 =	sld [smem:$0x3FFE];
	_ =	sdelay $0x1  }
0x8a: {  	s1 =	srdreg.scid  }
0x8b: {  	s0 =	sand.u32 $0x1, s1  }
0x8c: {  	s14 =	sshll.u32 s0, $0xA;
	s2 =	sadd.s32 s3, s2  }
0x8d: {  	s2 =	sadd.s32 s2, s14  }
0x8e: {  	[smem:$0x3FBC] =	sst s2  }
0x8f: {  	_ = 	snop  }
0x90: {  	s2 =	sld [smem:$0x3FD0];
	_ =	sdelay $0x2  }
0x91: {  	s4 =	simm.s32 $0xA;
	s5 =	simm.s32 $0x10;
	s15 =	sld [smem:$0x3FC9]  }
0x92: {  	[smem:s5], [sflag:s4] =	dma.local [hbm:s2], $0x1  }
0x93: {  	_ =	swait.eq [sflag:s4], $0x1  }
0x94: {  	[sflag:s4] =	ssyncset.done $0x0  }
0x95: {  	s16 =	sld [smem:$0x10];
	[sflag:s4] =	ssyncadd.s32 $0xFFFFFFFF  }
0x96: {  	s17 =	sld [smem:$0x11];
	(tm) =	ssettm $0x1  }
0x97: {  	s18 =	sld [smem:$0x3FFB];
	_ =	sdelay $0x3  }
0x98: {  	_ =	strace s18  }
0x99: {  	s5 =	sld [smem:$0x3FFC];
	_ =	sdelay $0x3  }
0x9a: {  	_ =	strace s5  }
0x9b: {  	s5 =	sld [smem:$0x3FFD];
	_ =	sdelay $0x3  }
0x9c: {  	_ =	strace s5  }
0x9d: {  	_ =	strace $0x8FFFFFFF  }
0x9e: {  	s19 =	sld [smem:$0x3FDB];
	_ =	sdelay $0x1  }
0x9f: {  	s6 =	simm.s32 $_scs_section_size  }
0xa0: {  	s7 =	simm.s32 $_size__tile_overlayer_lowered;
	s8 =	simm.s32 $_tile_overlayer_lowered  }
0xa1: {  	s22 =	simm.s32 $0x1BFF;
	s21 =	sshll.u32 s8, $0x1;
	s5 =	sadd.s32 s6, s19  }
0xa2: {  	s9 =	simm.s32 $0x0;
	s20 =	sshll.u32 s7, $0x1;
	s7 =	sadd.s32 s21, s5  }
0xa3: {  	[timem:s9], [sflag:s22] =	dma.local [hbm:s7], s20  }
0xa4: {  	_ =	swait.ge [sflag:s22], s20  }
0xa5: {  	s6 =	ssub.s32 $0x0, s20;
	[sflag:s22] =	ssyncset.done $0x0  }
0xa6: {  	[sflag:s22] =	ssyncadd.s32 s6;
	_ =	sdelay $0x1  }
0xa7: {  	s23 =	simm.s32 $0x1B8B  }
0xa8: {  	_ =	swait.ge [sflag:s23], $0x1  }
0xa9: {  	[sflag:s23] =	ssyncset.done $0x0  }
0xaa: {  	s25 =	simm.s32 $0x1B8E;
	s24 =	sld [smem:$0x3FFE];
	[sflag:s23] =	ssyncadd.s32 $0xFFFFFFFF  }
0xab: {  	s26 =	simm.s32 $execute0_lowered;
	[smem:$0x3FD2] =	sst s25  }
0xac: {  	s7 =	sshll.u32 s26, $0x1;
	_ =	strace $0x80000046;
	[dreg:$0x1] =	wrdreg $0xFFFFFFFF  }
0xad: {  	s28 =	simm.s32 $_size_execute0_lowered;
	s5 =	sadd.s32 s5, s7;
	[dreg:$0x0] =	wrdreg $0x0  }
0xae: {  	s7 =	sshll.u32 s28, $0x1;
	[dreg:$0x2] =	wrdreg s5  }
0xaf: {  	[dreg:$0x3] =	wrdreg s7  }
0xb0: {  	[dreg:$0x4] =	wrdreg $0xC0  }
0xb1: {  	_ =	task [dreg:s9], $0x5FFFF  }
0xb2: {  	[dreg:$0x1] =	wrdreg $0xFFFFFFFF  }
0xb3: {  	[dreg:$0x0] =	wrdreg $0x60  }
0xb4: {  	[dreg:$0x2] =	wrdreg s15  }
0xb5: {  	[dreg:$0x3] =	wrdreg s24  }
0xb6: {  	[dreg:$0x4] =	wrdreg s16  }
0xb7: {  	[dreg:$0x5] =	wrdreg s17  }
0xb8: {  	[dreg:$0x6] =	wrdreg $0x0  }
0xb9: {  	[dreg:$0x7] =	wrdreg $0x138800  }
0xba: {  	[dreg:$0x8] =	wrdreg $0x9  }
0xbb: {  	_ =	task.clear_ibuf [dreg:s9], $0x9FFFF;
	_ =	strace $0x90000046  }
0xbc: {  	s29 =	simm.s32 $0x9;
	_ =	strace $0x80000048  }
0xbd: {  	_ =	swait.ge [sflag:s29], $0x1  }
0xbe: {  	[sflag:s29] =	ssyncadd.s32 $0xFFFFFFFF  }
0xbf: {  	_ =	strace $0x90000048  }
0xc0: {  	_ =	sfence  }
0xc1: {  	s30 =	sld [smem:$0x0];
	_ =	sdelay $0x2  }
0xc2: {  	s31 =	sshll.u32 s1, $0xD;
	s1 =	sshrl.u32 s1, $0x2  }
0xc3: {  	s3 =	sand.u32 $0x4000, s31;
	s1 =	sadd.s32 s1, s30  }
0xc4: {  	s0 =	sor.u32 s3, s0;
	s1 =	sshll.u32 s1, $0x11  }
0xc5: {  	s0 =	sor.u32 s1, s0  }
0xc6: {  	s0 =	sadd.s32 $0x8F2B, s0  }
0xc7: {  	[sflag:s0] =	ssyncadd.remote.s32 $0x1  }
0xc8: {  	_ =	sfence.sel $0xFFFF  }
0xc9: {  	[dreg:$0x0] =	wrdreg $0xFFFFFFFF;
	(pc) =	sbr.abs _section_cstart, $3  }
0xca: {  	[dreg:$0x1] =	wrdreg $0xFFFFFFFF  }
0xcb: {  	_ =	task.clear_ibuf [dreg:s9], $0x2FFFF;
	_ =	strace $0x9FFFFFFF  }
0xcc: {  	(tm) =	ssettm $0x7FFFFFFF  }
0xcd: {  	_ =	shalt  }
tec
execute0_lowered:
.L_overlay_start_1:
0x0: {  	(tag) =	ssettag $0x1  }
0x1: {  	s0 =	rddreg [dreg:$0x0]  }
0x2: {  	s1 =	rddreg [dreg:$0x1]  }
0x3: {  	s2 =	rddreg [dreg:$0x3]  }
0x4: {  	s3 =	srdreg.scid;
	s4 =	rddreg [dreg:$0x4]  }
0x5: {  	s5 =	rddreg [dreg:$0x5];
	s8 =	stileid.u32  }
0x6: {  	s6 =	simm.s32 $0x0;
	s17 =	simm.s32 $0x13AF8;
	s18 =	simm.s32 $0x3  }
0x7: {  	s20 =	simm.s32 $0x18918;
	s28 =	simm.s32 $0x188C8;
	s12 =	smul.u32 $0xA000, s8  }
0x8: {  	s29 =	simm.s32 $0x0;
	s3 =	sand.u32 $0x1, s3;
	s14 =	smul.u32 $0x140, s8  }
0x9: {  	[smem:$0x7FF] =	sst s6;
	s9 =	sadd.s32 $0x16600, s1;
	s15 =	smul.u32 $0x50, s8  }
0xa: {  	s10 =	sadd.s32 $0x16400, s1;
	s25 =	ssub.s32 $0x8C, s8;
	s16 =	smul.u32 $0x500, s8  }
0xb: {  	s7 =	sshll.u32 s3, $0x4;
	_ =	strace $0x80000047;
	[dreg:$0x7] =	wrdreg s9  }
0xc: {  	s21 =	smul.u32 $0x27100, s3;
	[dreg:$0x8] =	wrdreg s10;
	s22 =	ssub.s32 $0x2, s3  }
0xd: {  	s3 =	smul.u32 $0x2710, s3;
	s11 =	sshrl.u32 s25, $0x4;
	s25 =	simm.s32 $0x1  }
0xe: {  	s7 =	sor.u32 s8, s7;
	s23 =	sshrl.u32 s22, $0x1;
	s26 =	sshrl.u32 s12, $0x2  }
0xf: {  	s30 =	sshrl.u32 s14, $0x2;
	s7 =	smul.u32 $0x4E2, s7;
	s13 =	ssub.s32 s22, s23  }
0x10: {  	s3 =	sadd.s32 s15, s3;
	s22 =	simm.s32 $0x1D918;
	s23 =	simm.s32 $0x50  }
0x11: {  	s12 =	smax.u32 s13, $0x1;
	s13 =	sadd.s32 s26, s4;
	s3 =	sshrl.u32 s3, $0x3  }
0x12: {  	s26 =	simm.s32 $0x2;
	s7 =	sadd.s32 s7, s1;
	s1 =	sadd.s32 s21, s1  }
0x13: {  	s19 =	sadd.s32 s3, s2;
	s21 =	simm.s32 $0x1D968;
	s24 =	sadd.s32 $0xC600, s7  }
0x14: {  	s10 =	sadd.s32 $0x2800, s7;
	s31 =	sadd.s32 s16, s1;
	s1 =	sadd.s32 s30, s5  }
0x15: {  	[dreg:$0x9] =	wrdreg s24;
	s16 =	sadd.s32 $0x16800, s31;
	s24 =	simm.s32 $0x1B118  }
.LBB2_1:
0x16: {  	s2 =	rddreg [dreg:$0x9]  }
0x17: {  	[tilespmem:s17], [sflag:$0x3] =	stream.linear.gather [hbm4b:s2+s6], $0x2710, $0x38;
	[tilespmem:$0x1D9B8] =	vst v63  }
0x18: {  	_ =	swait.ge [sflag:s18], $0x2710  }
0x19: {  	[sflag:s18] =	ssyncset.done $0x0  }
0x1a: {  	s15 =	simm.s32 $0x16208;
	[sflag:s18] =	ssyncadd.s32 $0xFFFFD8F0  }
0x1b: {  	[tilespmem:s15], [sflag:$0x3] =	stream.linear.gather [hbm4b:s10+s6], $0x2710, $0x38;
	[tilespmem:$0x1D9B8] =	vst v63  }
0x1c: {  	_ =	swait.ge [sflag:s18], $0x2710  }
0x1d: {  	[sflag:s18] =	ssyncset.done $0x0  }
0x1e: {  	[sflag:s18] =	ssyncadd.s32 $0xFFFFD8F0  }
0x1f: {  	s30 =	rddreg [dreg:$0x2]  }
0x20: {  	[tilespmem:s20], [sflag:$0x3] =	stream.linear.gather [hbm4b:s30+s6], $0x2800, $0x38;
	[tilespmem:$0x1D9B8] =	vst v63  }
0x21: {  	_ =	swait.ge [sflag:s18], $0x2800  }
0x22: {  	[sflag:s18] =	ssyncset.done $0x0  }
0x23: {  	s31 =	rddreg [dreg:$0x7];
	[sflag:s18] =	ssyncadd.s32 $0xFFFFD800  }
0x24: {  	[tilespmem:s21], [sflag:$0x3] =	stream.linear.gather [hbm4b:s31+s6], $0x50, $0x38;
	[tilespmem:$0x1D9B8] =	vst v63  }
0x25: {  	_ =	swait.ge [sflag:s18], $0x50  }
0x26: {  	[sflag:s18] =	ssyncset.done $0x0  }
0x27: {  	[sflag:s18] =	ssyncadd.s32 $0xFFFFFFB0  }
0x28: {  	[spmem:s13] =	stream.linear.scatter [tilespmem:s20], [sflag:$0x3], $0x2800, $0x38;
	[tilespmem:$0x1D9B8] =	vst v63  }
0x29: {  	p0 =	sne.s32 s11, $0x1;
	_ =	swait.ge [sflag:s18], $0x2800  }
.Ltmp0:
0x2a: {  	[sflag:s18] =	ssyncset.done $0x0;
	(pc) =	sbr.rel @!p0 .LBB2_3-.Ltmp0, $4  }
0x2b: {  	[sflag:s18] =	ssyncadd.s32 $0xFFFFD800  }
0x2c: {  	[spmem:s1] =	stream.linear.scatter [tilespmem:s21], [sflag:$0x3], $0x50, $0x38;
	[tilespmem:$0x1D9B8] =	vst v63  }
0x2d: {  	s3 =	smov.u32 s13;
	_ =	swait.ge [sflag:s18], $0x50  }
0x2e: {  	s7 =	smov.u32 s1;
	s2 =	sadd.s32 $0xFFFFFFFF, s11;
	[sflag:s18] =	ssyncset.done $0x0  }
.LBB2_2:
0x2f: {  	[sflag:s18] =	ssyncadd.s32 $0xFFFFFFB0;
	s3 =	sadd.s32 $0x28000, s3;
	s7 =	sadd.s32 $0x500, s7  }
0x30: {  	[spmem:s3] =	stream.linear.scatter [tilespmem:s20], [sflag:$0x3], $0x2800, $0x38;
	[tilespmem:$0x1D9B8] =	vst v63  }
0x31: {  	p1 =	sne.s32 s2, $0x1;
	s2 =	sadd.s32 $0xFFFFFFFF, s2;
	_ =	swait.ge [sflag:s18], $0x2800  }
.Ltmp1:
0x32: {  	[sflag:s18] =	ssyncset.done $0x0;
	(pc) =	sbr.rel @p1 .LBB2_2-.Ltmp1, $4  }
0x33: {  	[sflag:s18] =	ssyncadd.s32 $0xFFFFD800  }
0x34: {  	[spmem:s7] =	stream.linear.scatter [tilespmem:s21], [sflag:$0x3], $0x50, $0x38;
	[tilespmem:$0x1D9B8] =	vst v63  }
0x35: {  	_ =	swait.ge [sflag:s18], $0x50  }
0x36: {  	[sflag:s18] =	ssyncset.done $0x0  }
.LBB2_3:
0x37: {  	[sflag:s18] =	ssyncadd.s32 $0xFFFFFFB0;
	s2 =	simm.s32 $0x0;
	s3 =	rddreg [dreg:$0x8]  }
0x38: {  	[tilespmem:s22], [sflag:$0x3] =	stream.linear.gather [hbm4b:s3+s2], $0x50, $0x38;
	[tilespmem:$0x1D9B8] =	vst v63  }
0x39: {  	_ =	swait.ge [sflag:s18], $0x50  }
0x3a: {  	[sflag:s18] =	ssyncset.done $0x0  }
0x3b: {  	[sflag:s18] =	ssyncadd.s32 $0xFFFFFFB0  }
0x3c: {  	[bflag:$0x0] =	sbarrier.arrive $0xFFFF  }
0x3d: {  	[tilespmem:s20], [sflag:$0x1] =	stream.indirect.gather [hbm4b:s0+s23], $0x80, s17, s23, $0xb8;
	[tilespmem:$0x1D9B8] =	vst v63  }
0x3e: {  	s9 =	simm.s32 $0x13B48  }
0x3f: {  	[tilespmem:s24], [sflag:$0x2] =	stream.indirect.gather [hbm4b:s0+s23], $0x80, s9, s23, $0xb8;
	[tilespmem:$0x1D9B8] =	vst v63  }
0x40: {  	_ =	swait.ge [sflag:s25], $0x2800  }
0x41: {  	[sflag:s25] =	ssyncset.done $0x0  }
0x42: {  	s14 =	simm.s32 $0x16208;
	[sflag:s25] =	ssyncadd.s32 $0xFFFFD800  }
0x43: {  	[spmem:s4] =	stream.indirect.scatter.add.f32 [tilespmem:s20], [sflag:$0x3], $0x80, s14, s23, $0xb8;
	[tilespmem:$0x1D9B8] =	vst v63  }
0x44: {  	_ =	swait.ge [sflag:s18], $0x2800  }
0x45: {  	[sflag:s18] =	ssyncset.done $0x0  }
0x46: {  	[sflag:s18] =	ssyncadd.s32 $0xFFFFD800  }
0x47: {  	[spmem:s5] =	stream.indirect.scatter.add.f32 [tilespmem:s22], [sflag:$0x3], $0x1, s14, s23, $0xb8;
	[tilespmem:$0x1D9B8] =	vst v63  }
0x48: {  	_ =	swait.ge [sflag:s18], $0x50  }
0x49: {  	[sflag:s18] =	ssyncset.done $0x0  }
0x4a: {  	s15 =	simm.s32 $0x13B98;
	[sflag:s18] =	ssyncadd.s32 $0xFFFFFFB0  }
0x4b: {  	[tilespmem:s20], [sflag:$0x1] =	stream.indirect.gather [hbm4b:s0+s23], $0x80, s15, s23, $0xb8;
	[tilespmem:$0x1D9B8] =	vst v63  }
0x4c: {  	_ =	swait.ge [sflag:s26], $0x2800  }
0x4d: {  	[sflag:s26] =	ssyncset.done $0x0  }
0x4e: {  	s31 =	simm.s32 $0x16258;
	[sflag:s26] =	ssyncadd.s32 $0xFFFFD800  }
0x4f: {  	[spmem:s4] =	stream.indirect.scatter.add.f32 [tilespmem:s24], [sflag:$0x3], $0x80, s31, s23, $0xb8;
	[tilespmem:$0x1D9B8] =	vst v63  }
0x50: {  	_ =	swait.ge [sflag:s18], $0x2800  }
0x51: {  	[sflag:s18] =	ssyncset.done $0x0  }
0x52: {  	[sflag:s18] =	ssyncadd.s32 $0xFFFFD800  }
0x53: {  	[spmem:s5] =	stream.indirect.scatter.add.f32 [tilespmem:s22], [sflag:$0x3], $0x1, s31, s23, $0xb8;
	[tilespmem:$0x1D9B8] =	vst v63  }
0x54: {  	_ =	swait.ge [sflag:s18], $0x50  }
0x55: {  	s30 =	simm.s32 $0xA0;
	s2 =	simm.s32 $0x500;
	[sflag:s18] =	ssyncset.done $0x0  }
.LBB2_4:
0x56: {  	s3 =	sadd.s32 $0x13B48, s30  }
0x57: {  	[sflag:s18] =	ssyncadd.s32 $0xFFFFFFB0;
	s7 =	smov.u32 s2;
	s14 =	sadd.s32 $0x280, s2  }
0x58: {  	[tilespmem:s24], [sflag:$0x2] =	stream.indirect.gather [hbm4b:s0+s23], $0x80, s3, s23, $0xb8;
	[tilespmem:$0x1D9B8] =	vst v63  }
0x59: {  	p1 =	sne.s32 s2, $0x9880;
	_ =	swait.ge [sflag:s25], $0x2800  }
0x5a: {  	[sflag:s25] =	ssyncset.done $0x0  }
0x5b: {  	s2 =	sadd.s32 $0x16208, s30;
	[sflag:s25] =	ssyncadd.s32 $0xFFFFD800  }
0x5c: {  	[spmem:s4] =	stream.indirect.scatter.add.f32 [tilespmem:s20], [sflag:$0x3], $0x80, s2, s23, $0xb8;
	[tilespmem:$0x1D9B8] =	vst v63  }
0x5d: {  	_ =	swait.ge [sflag:s18], $0x2800  }
0x5e: {  	[sflag:s18] =	ssyncset.done $0x0  }
0x5f: {  	[sflag:s18] =	ssyncadd.s32 $0xFFFFD800  }
0x60: {  	[spmem:s5] =	stream.indirect.scatter.add.f32 [tilespmem:s22], [sflag:$0x3], $0x1, s2, s23, $0xb8;
	[tilespmem:$0x1D9B8] =	vst v63  }
0x61: {  	_ =	swait.ge [sflag:s18], $0x50  }
0x62: {  	[sflag:s18] =	ssyncset.done $0x0  }
0x63: {  	s2 =	sadd.s32 $0x13B98, s30;
	[sflag:s18] =	ssyncadd.s32 $0xFFFFFFB0  }
0x64: {  	[tilespmem:s20], [sflag:$0x1] =	stream.indirect.gather [hbm4b:s0+s23], $0x80, s2, s23, $0xb8;
	[tilespmem:$0x1D9B8] =	vst v63  }
0x65: {  	_ =	swait.ge [sflag:s26], $0x2800  }
0x66: {  	[sflag:s26] =	ssyncset.done $0x0  }
0x67: {  	s2 =	sadd.s32 $0x16258, s30;
	[sflag:s26] =	ssyncadd.s32 $0xFFFFD800  }
0x68: {  	[spmem:s4] =	stream.indirect.scatter.add.f32 [tilespmem:s24], [sflag:$0x3], $0x80, s2, s23, $0xb8;
	[tilespmem:$0x1D9B8] =	vst v63  }
0x69: {  	_ =	swait.ge [sflag:s18], $0x2800  }
.Ltmp2:
0x6a: {  	[sflag:s18] =	ssyncset.done $0x0;
	(pc) =	sbr.rel @p1 .LBB2_4-.Ltmp2, $4  }
0x6b: {  	[sflag:s18] =	ssyncadd.s32 $0xFFFFD800  }
0x6c: {  	[spmem:s5] =	stream.indirect.scatter.add.f32 [tilespmem:s22], [sflag:$0x3], $0x1, s2, s23, $0xb8;
	[tilespmem:$0x1D9B8] =	vst v63  }
0x6d: {  	_ =	swait.ge [sflag:s18], $0x50  }
0x6e: {  	s30 =	sshra.s32 s7, $0x2;
	s2 =	smov.u32 s14;
	[sflag:s18] =	ssyncset.done $0x0  }
0x6f: {  	s2 =	sadd.s32 $0x13B48, s30;
	[sflag:s18] =	ssyncadd.s32 $0xFFFFFFB0  }
0x70: {  	[tilespmem:s24], [sflag:$0x2] =	stream.indirect.gather [hbm4b:s0+s23], $0x80, s2, s23, $0xb8;
	[tilespmem:$0x1D9B8] =	vst v63  }
0x71: {  	_ =	swait.ge [sflag:s25], $0x2800  }
0x72: {  	[sflag:s25] =	ssyncset.done $0x0  }
0x73: {  	s14 =	sadd.s32 $0x16208, s30;
	[sflag:s25] =	ssyncadd.s32 $0xFFFFD800  }
0x74: {  	[spmem:s4] =	stream.indirect.scatter.add.f32 [tilespmem:s20], [sflag:$0x3], $0x80, s14, s23, $0xb8;
	[tilespmem:$0x1D9B8] =	vst v63  }
0x75: {  	_ =	swait.ge [sflag:s18], $0x2800  }
0x76: {  	[sflag:s18] =	ssyncset.done $0x0  }
0x77: {  	[sflag:s18] =	ssyncadd.s32 $0xFFFFD800  }
0x78: {  	[spmem:s5] =	stream.indirect.scatter.add.f32 [tilespmem:s22], [sflag:$0x3], $0x1, s14, s23, $0xb8;
	[tilespmem:$0x1D9B8] =	vst v63  }
0x79: {  	_ =	swait.ge [sflag:s18], $0x50  }
0x7a: {  	[sflag:s18] =	ssyncset.done $0x0  }
0x7b: {  	s15 =	sadd.s32 $0x13B98, s30;
	[sflag:s18] =	ssyncadd.s32 $0xFFFFFFB0  }
0x7c: {  	[tilespmem:s20], [sflag:$0x1] =	stream.indirect.gather [hbm4b:s0+s23], $0x80, s15, s23, $0xb8;
	[tilespmem:$0x1D9B8] =	vst v63  }
0x7d: {  	_ =	swait.ge [sflag:s26], $0x2800  }
0x7e: {  	[sflag:s26] =	ssyncset.done $0x0  }
0x7f: {  	s31 =	sadd.s32 $0x16258, s30;
	[sflag:s26] =	ssyncadd.s32 $0xFFFFD800  }
0x80: {  	[spmem:s4] =	stream.indirect.scatter.add.f32 [tilespmem:s24], [sflag:$0x3], $0x80, s31, s23, $0xb8;
	[tilespmem:$0x1D9B8] =	vst v63  }
0x81: {  	_ =	swait.ge [sflag:s18], $0x2800  }
0x82: {  	[sflag:s18] =	ssyncset.done $0x0  }
0x83: {  	[sflag:s18] =	ssyncadd.s32 $0xFFFFD800  }
0x84: {  	[spmem:s5] =	stream.indirect.scatter.add.f32 [tilespmem:s22], [sflag:$0x3], $0x1, s31, s23, $0xb8;
	[tilespmem:$0x1D9B8] =	vst v63  }
0x85: {  	_ =	swait.ge [sflag:s18], $0x50  }
0x86: {  	[sflag:s18] =	ssyncset.done $0x0  }
0x87: {  	[sflag:s18] =	ssyncadd.s32 $0xFFFFFFB0  }
0x88: {  	_ =	swait.ge [sflag:s25], $0x2800  }
0x89: {  	[sflag:s25] =	ssyncset.done $0x0  }
0x8a: {  	[sflag:s25] =	ssyncadd.s32 $0xFFFFD800  }
0x8b: {  	[spmem:s4] =	stream.indirect.scatter.add.f32 [tilespmem:s20], [sflag:$0x3], $0x80, s28, s23, $0xb8;
	[tilespmem:$0x1D9B8] =	vst v63  }
0x8c: {  	_ =	swait.ge [sflag:s18], $0x2800  }
0x8d: {  	[sflag:s18] =	ssyncset.done $0x0  }
0x8e: {  	[sflag:s18] =	ssyncadd.s32 $0xFFFFD800  }
0x8f: {  	[spmem:s5] =	stream.indirect.scatter.add.f32 [tilespmem:s22], [sflag:$0x3], $0x1, s28, s23, $0xb8;
	[tilespmem:$0x1D9B8] =	vst v63  }
.Ltmp3:
0x90: {  	_ =	swait.ge [sflag:s18], $0x50;
	(pc) =	sbr.rel @!p0 .LBB2_6-.Ltmp3, $4  }
0x91: {  	[sflag:s18] =	ssyncset.done $0x0  }
0x92: {  	s3 =	sadd.s32 $0xFFFFFFFF, s11;
	[sflag:s18] =	ssyncadd.s32 $0xFFFFFFB0  }
0x93: {  	s7 =	stileid.u32;
	p1 =	por $0x0, $0x0;
	[bflag:$0x0] =	sbarrier.arrive $0xFFFF  }
0x94: {  	s2 =	sshrl.u32 s13, $0x3;
	s30 =	sshll.u32 s7, $0x6;
	s7 =	sadd.s32 $0x28000, s13  }
0x95: {  	s14 =	sor.u32 $0x1C03, s30  }
0x96: {  	[hbm:s16], [sflag:s14] =	dma.local [spmem:s2], $0x500  }
0x97: {  	p0 =	sne.s32 s3, $0x1;
	s3 =	sadd.s32 $0xFFFFFFFF, s3;
	_ =	swait.ge [sflag:s18], $0x500  }
.Ltmp4:
0x98: {  	s15 =	sshrl.u32 s1, $0x3;
	[sflag:s18] =	ssyncset.done $0x0;
	(pc) =	sbr.rel @!p0 .LBB2_9-.Ltmp4, $4  }
0x99: {  	s31 =	sadd.s32 $0x5000, s16;
	p1 =	por $0x1, $0x1;
	[sflag:s18] =	ssyncadd.s32 $0xFFFFFB00  }
0x9a: {  	[hbm:s19], [sflag:s14] =	dma.local [spmem:s15], $0xA  }
0x9b: {  	s2 =	sshrl.u32 s7, $0x3;
	s7 =	sadd.s32 $0x28000, s7;
	_ =	swait.ge [sflag:s18], $0xA  }
0x9c: {  	s14 =	sadd.s32 $0x500, s1;
	s15 =	sadd.s32 $0xA0, s19;
	[sflag:s18] =	ssyncset.done $0x0  }
.LBB2_8:
0x9d: {  	s8 =	sshrl.u32 s7, $0x3;
	s9 =	sor.u32 $0x1C03, s30;
	[sflag:s18] =	ssyncadd.s32 $0xFFFFFFF6  }
0x9e: {  	[hbm:s31], [sflag:s9] =	dma.local [spmem:s2], $0x500  }
0x9f: {  	p0 =	sne.s32 s3, $0x1;
	s3 =	sadd.s32 $0xFFFFFFFF, s3;
	_ =	swait.ge [sflag:s18], $0x500  }
.Ltmp5:
0xa0: {  	s2 =	smov.u32 s8;
	[sflag:s18] =	ssyncset.done $0x0;
	(pc) =	sbr.rel @p0 .LBB2_8-.Ltmp5, $4  }
0xa1: {  	s8 =	sshrl.u32 s14, $0x3;
	s31 =	sadd.s32 $0x5000, s31;
	[sflag:s18] =	ssyncadd.s32 $0xFFFFFB00  }
0xa2: {  	[hbm:s15], [sflag:s9] =	dma.local [spmem:s8], $0xA  }
0xa3: {  	s14 =	sadd.s32 $0x500, s14;
	s15 =	sadd.s32 $0xA0, s15;
	_ =	swait.ge [sflag:s18], $0xA  }
0xa4: {  	s7 =	sadd.s32 $0x28000, s7;
	[sflag:s18] =	ssyncset.done $0x0  }
.LBB2_9:
0xa5: {  	s3 =	sor.u32 $0x1C03, s30;
	[sflag:s18] =	ssyncadd.s32 @p1 $0xFFFFFFF6  }
0xa6: {  	[hbm:s31], [sflag:s3] =	dma.local [spmem:s2], $0x500  }
0xa7: {  	_ =	swait.ge [sflag:s18], $0x500  }
0xa8: {  	s29 =	sadd.s32 $0x1, s29;
	[sflag:s18] =	ssyncset.done $0x0  }
0xa9: {  	s31 =	sshrl.u32 s14, $0x3;
	p0 =	sne.s32 s29, s12;
	[sflag:s18] =	ssyncadd.s32 $0xFFFFFB00  }
0xaa: {  	[hbm:s15], [sflag:s3] =	dma.local [spmem:s31], $0xA  }
.Ltmp6:
0xab: {  	_ = 	snop;
	(pc) =	sbr.rel @p0 .LBB2_1-.Ltmp6, $4  }
.Ltmp7:
0xac: {  	_ = 	snop;
	(pc) =	sbr.rel @!p0 .LBB2_10-.Ltmp7, $4  }
0xad: {  	_ =	swait.ge [sflag:s18], $0xA  }
0xae: {  	[sflag:s18] =	ssyncset.done $0x0  }
0xaf: {  	[sflag:s18] =	ssyncadd.s32 $0xFFFFFFF6  }
0xb0: {  	_ = 	snop  }
.LBB2_6:
.Ltmp8:
0xb1: {  	(pc) =	sbr.rel .LBB2_9-.Ltmp8, $2  }
0xb2: {  	_ =	sdelay $0x2  }
0xb3: {  	s31 =	smov.u32 s16;
	s14 =	smov.u32 s1;
	s15 =	smov.u32 s19  }
.LBB2_10:
0xb4: {  	_ =	sfence.sel $0x180000  }
0xb5: {  	[bflag:$0x0] =	sbarrier.arrive $0xFFFF  }
0xb6: {  	_ =	strace $0x90000047  }
0xb7: {  	s0 =	stileid.u32;
	[bflag:$0x2] =	sbarrier.arrive $0xFFFF  }
0xb8: {  	p0 =	sne.s32 s0, $0x0;
	s0 =	rddreg [dreg:$0x6]  }
0xb9: {  	s0 =	sadd.s32 @!p0 $0x100000, s0  }
0xba: {  	[sflag:s0] =	ssyncadd.tile.s32 @!p0 $0x1;
	_ =	shalt  }
.Lfunc_end2:
_tile_overlayer_lowered:
.L_overlay_start_2:
0xbb: {  	(tag) =	ssettag $0x2  }
0xbc: {  	s0 =	rddreg [dreg:$0x0];
	s2 =	stileid.u32  }
0xbd: {  	s1 =	rddreg [dreg:$0x1];
	p0 =	sne.s32 s2, $0x0  }
0xbe: {  	s3 =	rddreg [dreg:$0x2];
	[bflag:$0x3] =	sbarrier.arrive $0xFFFF;
	s2 =	simm.s32 @!p0 $0x1C03  }
0xbf: {  	[timem:s3], [sflag:s2] =	dma.local @!p0 [hbm:s0], s1  }
0xc0: {  	s0 =	simm.s32 @!p0 $0x3  }
0xc1: {  	_ =	swait.ge @!p0 [sflag:s0], s1  }
0xc2: {  	s1 =	ssub.s32 @!p0 $0x0, s1;
	[sflag:s0] =	ssyncset.done @!p0 $0x0  }
0xc3: {  	[sflag:s0] =	ssyncadd.s32 @!p0 s1  }
0xc4: {  	[bflag:$0x3] =	sbarrier.arrive $0xFFFF  }
0xc5: {  	_ =	shalt  }

</sc_bundles>
